<compile_context>
chip_gen: v7x
topology: tpu7x:2x2x1
jax: 0.10.2.dev20260603
libtpu: 0.0.44.dev20260713+nightly
codegen_flags: <defaults>
</compile_context>

<pallas_src>
import functools

import jax
import jax.numpy as jnp
from jax import lax
from jax.experimental import pallas as pl
from jax.experimental.pallas import tpu as pltpu
from jax.experimental.pallas import tpu_sc as plsc

TOKENS = 32768
D_MODEL = 768
NUM_EXPERTS = 64
BLOCK = 4096

_NC = 2
_NS = 16
_NW = _NC * _NS
_ROWS_W = TOKENS // _NW


def _gate_body(x_ref, w_ref, bt_ref, o_ref):
    scores_t = lax.dot_general(
        w_ref[...],
        x_ref[...],
        (((1,), (1,)), ((), ())),
        preferred_element_type=jnp.float32,
    )
    scores_t = scores_t + bt_ref[...]
    m = jnp.max(scores_t, axis=0, keepdims=True)
    row = lax.broadcasted_iota(jnp.int32, scores_t.shape, 0)
    idx = jnp.min(jnp.where(scores_t == m, row, NUM_EXPERTS), axis=0, keepdims=True)
    oh_t = (row == idx).astype(jnp.float32)
    e1 = lax.broadcasted_iota(jnp.int32, (NUM_EXPERTS, NUM_EXPERTS), 0)
    e2 = lax.broadcasted_iota(jnp.int32, (NUM_EXPERTS, NUM_EXPERTS), 1)
    eye = (e1 == e2).astype(jnp.float32)
    o_ref[...] = lax.dot_general(
        oh_t, eye, (((0,), (0,)), ((), ())), preferred_element_type=jnp.float32
    )


def _gate_one_hot(x, W, bt):
    return pl.pallas_call(
        _gate_body,
        grid=(TOKENS // BLOCK,),
        in_specs=[
            pl.BlockSpec((BLOCK, D_MODEL), lambda i: (i, 0)),
            pl.BlockSpec((NUM_EXPERTS, D_MODEL), lambda i: (0, 0)),
            pl.BlockSpec((NUM_EXPERTS, 1), lambda i: (0, 0)),
        ],
        out_specs=pl.BlockSpec((BLOCK, NUM_EXPERTS), lambda i: (i, 0)),
        out_shape=jax.ShapeDtypeStruct((TOKENS, NUM_EXPERTS), jnp.float32),
    )(x, W, bt)


def _idx_body(x_ref, w_ref, bt_ref, o_ref):
    scores_t = lax.dot_general(
        w_ref[...],
        x_ref[...],
        (((1,), (1,)), ((), ())),
        preferred_element_type=jnp.float32,
    )
    scores_t = scores_t + bt_ref[...]
    m = jnp.max(scores_t, axis=0, keepdims=True)
    row = lax.broadcasted_iota(jnp.int32, scores_t.shape, 0)
    o_ref[...] = jnp.min(jnp.where(scores_t == m, row, NUM_EXPERTS), axis=0)


def _top1_indices(x, W, bt):
    return pl.pallas_call(
        _idx_body,
        grid=(TOKENS // BLOCK,),
        in_specs=[
            pl.BlockSpec((BLOCK, D_MODEL), lambda i: (i, 0)),
            pl.BlockSpec((NUM_EXPERTS, D_MODEL), lambda i: (0, 0)),
            pl.BlockSpec((NUM_EXPERTS, 1), lambda i: (0, 0)),
        ],
        out_specs=pl.BlockSpec((BLOCK,), lambda i: (i,)),
        out_shape=jax.ShapeDtypeStruct((TOKENS,), jnp.int32),
    )(x, W, bt)


@functools.cache
def _sc_one_hot_kernel():
    return functools.partial(
        pl.kernel,
        mesh=plsc.VectorSubcoreMesh(core_axis_name="c", subcore_axis_name="s"),
        out_type=jax.ShapeDtypeStruct((TOKENS * NUM_EXPERTS,), jnp.float32),
        scratch_types=[
            pltpu.VMEM((_ROWS_W,), jnp.int32),
            pltpu.VMEM((_ROWS_W * NUM_EXPERTS,), jnp.float32),
        ],
        compiler_params=pltpu.CompilerParams(needs_layout_passes=False),
    )(_sc_one_hot_body)


def _sc_one_hot_body(idx_hbm, out_hbm, idx_v, buf_v):
    wid = lax.axis_index("s") * _NC + lax.axis_index("c")
    base = wid * _ROWS_W
    pltpu.sync_copy(idx_hbm.at[pl.ds(base, _ROWS_W)], idx_v)

    zero16 = jnp.zeros((16,), jnp.float32)

    def zbody(i, c):
        buf_v[pl.ds(i * 16, 16)] = zero16
        return c

    lax.fori_loop(0, _ROWS_W * NUM_EXPERTS // 16, zbody, 0, unroll=8)

    ones16 = jnp.ones((16,), jnp.float32)
    lane = lax.iota(jnp.int32, 16)

    def sbody(g, c):
        rows = lane + g * 16
        cols = idx_v[pl.ds(g * 16, 16)]
        plsc.store_scatter(buf_v, [rows * NUM_EXPERTS + cols], ones16)
        return c

    lax.fori_loop(0, _ROWS_W // 16, sbody, 0, unroll=4)

    pltpu.sync_copy(
        buf_v, out_hbm.at[pl.ds(base * NUM_EXPERTS, _ROWS_W * NUM_EXPERTS)]
    )


_NCHUNK = 4
_CHUNK = TOKENS // _NCHUNK
_CROWS_W = _CHUNK // _NW


def _chunk_indices(x, W, bt, c):
    nb = _CHUNK // BLOCK
    return pl.pallas_call(
        _idx_body,
        grid=(nb,),
        in_specs=[
            pl.BlockSpec((BLOCK, D_MODEL), lambda i, c=c: (c * nb + i, 0)),
            pl.BlockSpec((NUM_EXPERTS, D_MODEL), lambda i: (0, 0)),
            pl.BlockSpec((NUM_EXPERTS, 1), lambda i: (0, 0)),
        ],
        out_specs=pl.BlockSpec((BLOCK,), lambda i: (i,)),
        out_shape=jax.ShapeDtypeStruct((_CHUNK,), jnp.int32),
    )(x, W, bt)


@functools.cache
def _sc_chunk_kernel():
    return functools.partial(
        pl.kernel,
        mesh=plsc.VectorSubcoreMesh(core_axis_name="c", subcore_axis_name="s"),
        out_type=jax.ShapeDtypeStruct((_CHUNK * NUM_EXPERTS,), jnp.float32),
        scratch_types=[
            pltpu.VMEM((_CROWS_W,), jnp.int32),
            pltpu.VMEM((_CROWS_W * NUM_EXPERTS,), jnp.float32),
        ],
        compiler_params=pltpu.CompilerParams(needs_layout_passes=False),
    )(_sc_chunk_body)


def _sc_chunk_body(idx_hbm, out_hbm, idx_v, buf_v):
    wid = lax.axis_index("s") * _NC + lax.axis_index("c")
    base = wid * _CROWS_W
    pltpu.sync_copy(idx_hbm.at[pl.ds(base, _CROWS_W)], idx_v)

    zero16 = jnp.zeros((16,), jnp.float32)

    def zbody(i, c):
        buf_v[pl.ds(i * 16, 16)] = zero16
        return c

    lax.fori_loop(0, _CROWS_W * NUM_EXPERTS // 16, zbody, 0, unroll=8)

    ones16 = jnp.ones((16,), jnp.float32)
    lane = lax.iota(jnp.int32, 16)

    def sbody(g, c):
        rows = lane + g * 16
        cols = idx_v[pl.ds(g * 16, 16)]
        plsc.store_scatter(buf_v, [rows * NUM_EXPERTS + cols], ones16)
        return c

    lax.fori_loop(0, _CROWS_W // 16, sbody, 0, unroll=4)

    pltpu.sync_copy(
        buf_v, out_hbm.at[pl.ds(base * NUM_EXPERTS, _CROWS_W * NUM_EXPERTS)]
    )


def kernel(x, W, b):
    bt = b.reshape(NUM_EXPERTS, 1)
    idxs = [_chunk_indices(x, W, bt, c) for c in range(_NCHUNK)]
    ohs = [_sc_chunk_kernel()(idxs[c]) for c in range(_NCHUNK)]
    return jnp.concatenate(ohs).reshape(TOKENS, NUM_EXPERTS)

# --- scband reference (transcript-rebuilt; emitter-appended) ---
"""Pipeline reference for scband-hard-gate-22368189677953 (READ-ONLY COPY).

The authoritative reference and input builder live on the scoring server;
editing this copy changes nothing except your own understanding.
"""

import jax, jax.numpy as jnp
import numpy as np

TOKENS = 32768
D_MODEL = 768
NUM_EXPERTS = 64

def setup_inputs(seed: int = 0) -> dict:
    key = jax.random.key(seed)
    k1, k2, k3 = jax.random.split(key, 3)
    x = jax.random.normal(k1, (TOKENS, D_MODEL), dtype=jnp.float32)
    # nn.Linear(input_dim, num_experts): weight [num_experts, input_dim], bias [num_experts]
    bound = 1.0 / np.sqrt(D_MODEL)
    W = jax.random.uniform(k2, (NUM_EXPERTS, D_MODEL), dtype=jnp.float32, minval=-bound, maxval=bound)
    b = jax.random.uniform(k3, (NUM_EXPERTS,), dtype=jnp.float32, minval=-bound, maxval=bound)
    return {"x": x, "W": W, "b": b}

def reference(x, W, b):
    # scores = self.fc(x)
    scores = x @ W.T + b
    # top1_indices = argmax(scores, dim=-1, keepdim=True)
    top1 = jnp.argmax(scores, axis=-1)
    # weights = zeros_like(scores).scatter_(-1, top1_indices, 1.0)  -> one-hot via scatter-overwrite
    weights = jnp.zeros_like(scores).at[jnp.arange(scores.shape[0]), top1].set(1.0)
    return weights

if __name__ == "__main__":
    import jax
    _d = setup_inputs()
    print(jax.jit(kernel)(*tuple(_d.values())))

</pallas_src>

<mosaic_0001>
#map = affine_map<(d0, d1) -> (0)>
module attributes {stable_mosaic.version = 14 : i64} {
  func.func @_sc_chunk_body(%arg0: i32, %arg1: i32, %arg2: memref<8192xi32, #tpu.memory_space<hbm>>, %arg3: memref<524288xf32, #tpu.memory_space<hbm>>, %arg4: memref<256xi32, #tpu.memory_space<vmem>>, %arg5: memref<16384xf32, #tpu.memory_space<vmem>>) attributes {dimension_semantics = [#tpu.dimension_semantics<core_parallel>, #tpu.dimension_semantics<subcore_parallel>], iteration_bounds = array<i64: 2, 16>, scalar_prefetch = 0 : i64, scratch_operands = 2 : i64, tpu.core_type = #tpu.core_type<sc_vector_subcore>, window_params = [{transform_indices = #map}, {transform_indices = #map}]} {
    %mul3A = arith.constant 2 : i32
    %mul3A_0 = arith.muli %arg1, %mul3A : i32
    %add3A = arith.addi %mul3A_0, %arg0 : i32
    %mul3A_1 = arith.constant 256 : i32
    %mul3A_2 = arith.muli %add3A, %mul3A_1 : i32
    "tpu.region"() ({
      %run_scoped3A = tpu.sem_alloc : memref<!tpu.dma_semaphore, #tpu.memory_space<semaphore_mem>>
      %dma_start3A = tpu.memref_slice %arg2[%mul3A_2] : memref<8192xi32, #tpu.memory_space<hbm>> -> memref<256xi32, #tpu.memory_space<hbm>>
      %dma_start3A_19 = tpu.memref_slice %arg2[%mul3A_2] : memref<8192xi32, #tpu.memory_space<hbm>> -> memref<256xi32, #tpu.memory_space<hbm>>
      tpu.enqueue_dma source(%dma_start3A_19 : memref<256xi32, #tpu.memory_space<hbm>>) target(%arg4 : memref<256xi32, #tpu.memory_space<vmem>>) target_semaphore(%run_scoped3A : memref<!tpu.dma_semaphore, #tpu.memory_space<semaphore_mem>>)
      %dma_wait3A = tpu.memref_slice %arg2[%mul3A_2] : memref<8192xi32, #tpu.memory_space<hbm>> -> memref<256xi32, #tpu.memory_space<hbm>>
      %dma_wait3A_20 = tpu.memref_slice %arg2[%mul3A_2] : memref<8192xi32, #tpu.memory_space<hbm>> -> memref<256xi32, #tpu.memory_space<hbm>>
      tpu.wait_dma2 semaphore(%run_scoped3A : memref<!tpu.dma_semaphore, #tpu.memory_space<semaphore_mem>>) src(%dma_wait3A_20 : memref<256xi32, #tpu.memory_space<hbm>>) dst(%arg4 : memref<256xi32, #tpu.memory_space<vmem>>)
      tpu.yield
    }) : () -> ()
    %broadcast_in_dim3A = arith.constant 0.000000e+00 : f32
    %broadcast_in_dim3A_3 = vector.broadcast %broadcast_in_dim3A : f32 to vector<16xf32>
    %scan3A = arith.constant 0 : i32
    %scan3A_4 = arith.constant 0 : i32
    %scan3A_5 = arith.constant 1024 : i32
    %scan3A_6 = arith.addi %scan3A_4, %scan3A_5 : i32
    %scan3A_7 = arith.constant 8 : i32
    scf.for %scan3A_19 = %scan3A_4 to %scan3A_6 step %scan3A_7  : i32 {
      %mul3A_20 = arith.constant 16 : i32
      %mul3A_21 = arith.muli %scan3A_19, %mul3A_20 : i32
      %swap3A = arith.index_cast %mul3A_21 : i32 to index
      %swap3A_22 = tpu.vector_load %arg5[%swap3A] {strides = array<i32>} : memref<16384xf32, #tpu.memory_space<vmem>>, vector<16xf32>,
      tpu.vector_store %arg5[%swap3A], %broadcast_in_dim3A_3 {strides = array<i32>} : memref<16384xf32, #tpu.memory_space<vmem>>, vector<16xf32>,
      %scan3A_23 = arith.constant 1 : i32
      %scan3A_24 = arith.addi %scan3A_19, %scan3A_23 : i32
      %mul3A_25 = arith.constant 16 : i32
      %mul3A_26 = arith.muli %scan3A_24, %mul3A_25 : i32
      %swap3A_27 = arith.index_cast %mul3A_26 : i32 to index
      %swap3A_28 = tpu.vector_load %arg5[%swap3A_27] {strides = array<i32>} : memref<16384xf32, #tpu.memory_space<vmem>>, vector<16xf32>,
      tpu.vector_store %arg5[%swap3A_27], %broadcast_in_dim3A_3 {strides = array<i32>} : memref<16384xf32, #tpu.memory_space<vmem>>, vector<16xf32>,
      %scan3A_29 = arith.constant 2 : i32
      %scan3A_30 = arith.addi %scan3A_19, %scan3A_29 : i32
      %mul3A_31 = arith.constant 16 : i32
      %mul3A_32 = arith.muli %scan3A_30, %mul3A_31 : i32
      %swap3A_33 = arith.index_cast %mul3A_32 : i32 to index
      %swap3A_34 = tpu.vector_load %arg5[%swap3A_33] {strides = array<i32>} : memref<16384xf32, #tpu.memory_space<vmem>>, vector<16xf32>,
      tpu.vector_store %arg5[%swap3A_33], %broadcast_in_dim3A_3 {strides = array<i32>} : memref<16384xf32, #tpu.memory_space<vmem>>, vector<16xf32>,
      %scan3A_35 = arith.constant 3 : i32
      %scan3A_36 = arith.addi %scan3A_19, %scan3A_35 : i32
      %mul3A_37 = arith.constant 16 : i32
      %mul3A_38 = arith.muli %scan3A_36, %mul3A_37 : i32
      %swap3A_39 = arith.index_cast %mul3A_38 : i32 to index
      %swap3A_40 = tpu.vector_load %arg5[%swap3A_39] {strides = array<i32>} : memref<16384xf32, #tpu.memory_space<vmem>>, vector<16xf32>,
      tpu.vector_store %arg5[%swap3A_39], %broadcast_in_dim3A_3 {strides = array<i32>} : memref<16384xf32, #tpu.memory_space<vmem>>, vector<16xf32>,
      %scan3A_41 = arith.constant 4 : i32
      %scan3A_42 = arith.addi %scan3A_19, %scan3A_41 : i32
      %mul3A_43 = arith.constant 16 : i32
      %mul3A_44 = arith.muli %scan3A_42, %mul3A_43 : i32
      %swap3A_45 = arith.index_cast %mul3A_44 : i32 to index
      %swap3A_46 = tpu.vector_load %arg5[%swap3A_45] {strides = array<i32>} : memref<16384xf32, #tpu.memory_space<vmem>>, vector<16xf32>,
      tpu.vector_store %arg5[%swap3A_45], %broadcast_in_dim3A_3 {strides = array<i32>} : memref<16384xf32, #tpu.memory_space<vmem>>, vector<16xf32>,
      %scan3A_47 = arith.constant 5 : i32
      %scan3A_48 = arith.addi %scan3A_19, %scan3A_47 : i32
      %mul3A_49 = arith.constant 16 : i32
      %mul3A_50 = arith.muli %scan3A_48, %mul3A_49 : i32
      %swap3A_51 = arith.index_cast %mul3A_50 : i32 to index
      %swap3A_52 = tpu.vector_load %arg5[%swap3A_51] {strides = array<i32>} : memref<16384xf32, #tpu.memory_space<vmem>>, vector<16xf32>,
      tpu.vector_store %arg5[%swap3A_51], %broadcast_in_dim3A_3 {strides = array<i32>} : memref<16384xf32, #tpu.memory_space<vmem>>, vector<16xf32>,
      %scan3A_53 = arith.constant 6 : i32
      %scan3A_54 = arith.addi %scan3A_19, %scan3A_53 : i32
      %mul3A_55 = arith.constant 16 : i32
      %mul3A_56 = arith.muli %scan3A_54, %mul3A_55 : i32
      %swap3A_57 = arith.index_cast %mul3A_56 : i32 to index
      %swap3A_58 = tpu.vector_load %arg5[%swap3A_57] {strides = array<i32>} : memref<16384xf32, #tpu.memory_space<vmem>>, vector<16xf32>,
      tpu.vector_store %arg5[%swap3A_57], %broadcast_in_dim3A_3 {strides = array<i32>} : memref<16384xf32, #tpu.memory_space<vmem>>, vector<16xf32>,
      %scan3A_59 = arith.constant 7 : i32
      %scan3A_60 = arith.addi %scan3A_19, %scan3A_59 : i32
      %mul3A_61 = arith.constant 16 : i32
      %mul3A_62 = arith.muli %scan3A_60, %mul3A_61 : i32
      %swap3A_63 = arith.index_cast %mul3A_62 : i32 to index
      %swap3A_64 = tpu.vector_load %arg5[%swap3A_63] {strides = array<i32>} : memref<16384xf32, #tpu.memory_space<vmem>>, vector<16xf32>,
      tpu.vector_store %arg5[%swap3A_63], %broadcast_in_dim3A_3 {strides = array<i32>} : memref<16384xf32, #tpu.memory_space<vmem>>, vector<16xf32>,
    }
    %scan3A_8 = arith.constant 1024 : i32
    %broadcast_in_dim3A_9 = arith.constant 1.000000e+00 : f32
    %broadcast_in_dim3A_10 = vector.broadcast %broadcast_in_dim3A_9 : f32 to vector<16xf32>
    %iota3A = tpu.iota {dimensions = array<i32: 0>} : vector<16xi32>
    %scan3A_11 = arith.constant 0 : i32
    %scan3A_12 = arith.constant 0 : i32
    %scan3A_13 = arith.constant 16 : i32
    %scan3A_14 = arith.addi %scan3A_12, %scan3A_13 : i32
    %scan3A_15 = arith.constant 4 : i32
    scf.for %scan3A_19 = %scan3A_12 to %scan3A_14 step %scan3A_15  : i32 {
      %mul3A_20 = arith.constant 16 : i32
      %mul3A_21 = arith.muli %scan3A_19, %mul3A_20 : i32
      %add3A_22 = vector.broadcast %mul3A_21 : i32 to vector<16xi32>
      %add3A_23 = arith.addi %iota3A, %add3A_22 : vector<16xi32>
      %mul3A_24 = arith.constant 16 : i32
      %mul3A_25 = arith.muli %scan3A_19, %mul3A_24 : i32
      %get3A = arith.index_cast %mul3A_25 : i32 to index
      %get3A_26 = tpu.vector_load %arg4[%get3A] {strides = array<i32>} : memref<256xi32, #tpu.memory_space<vmem>>, vector<16xi32>,
      %mul3A_27 = arith.constant 64 : i32
      %mul3A_28 = vector.broadcast %mul3A_27 : i32 to vector<16xi32>
      %mul3A_29 = arith.muli %add3A_23, %mul3A_28 : vector<16xi32>
      %add3A_30 = arith.addi %mul3A_29, %get3A_26 : vector<16xi32>
      tpu.vector_store_idx %arg5[%add3A_30], %broadcast_in_dim3A_10 : memref<16384xf32, #tpu.memory_space<vmem>>[vector<16xi32>], vector<16xf32>,
      %scan3A_31 = arith.constant 1 : i32
      %scan3A_32 = arith.addi %scan3A_19, %scan3A_31 : i32
      %mul3A_33 = arith.constant 16 : i32
      %mul3A_34 = arith.muli %scan3A_32, %mul3A_33 : i32
      %add3A_35 = vector.broadcast %mul3A_34 : i32 to vector<16xi32>
      %add3A_36 = arith.addi %iota3A, %add3A_35 : vector<16xi32>
      %mul3A_37 = arith.constant 16 : i32
      %mul3A_38 = arith.muli %scan3A_32, %mul3A_37 : i32
      %get3A_39 = arith.index_cast %mul3A_38 : i32 to index
      %get3A_40 = tpu.vector_load %arg4[%get3A_39] {strides = array<i32>} : memref<256xi32, #tpu.memory_space<vmem>>, vector<16xi32>,
      %mul3A_41 = arith.constant 64 : i32
      %mul3A_42 = vector.broadcast %mul3A_41 : i32 to vector<16xi32>
      %mul3A_43 = arith.muli %add3A_36, %mul3A_42 : vector<16xi32>
      %add3A_44 = arith.addi %mul3A_43, %get3A_40 : vector<16xi32>
      tpu.vector_store_idx %arg5[%add3A_44], %broadcast_in_dim3A_10 : memref<16384xf32, #tpu.memory_space<vmem>>[vector<16xi32>], vector<16xf32>,
      %scan3A_45 = arith.constant 2 : i32
      %scan3A_46 = arith.addi %scan3A_19, %scan3A_45 : i32
      %mul3A_47 = arith.constant 16 : i32
      %mul3A_48 = arith.muli %scan3A_46, %mul3A_47 : i32
      %add3A_49 = vector.broadcast %mul3A_48 : i32 to vector<16xi32>
      %add3A_50 = arith.addi %iota3A, %add3A_49 : vector<16xi32>
      %mul3A_51 = arith.constant 16 : i32
      %mul3A_52 = arith.muli %scan3A_46, %mul3A_51 : i32
      %get3A_53 = arith.index_cast %mul3A_52 : i32 to index
      %get3A_54 = tpu.vector_load %arg4[%get3A_53] {strides = array<i32>} : memref<256xi32, #tpu.memory_space<vmem>>, vector<16xi32>,
      %mul3A_55 = arith.constant 64 : i32
      %mul3A_56 = vector.broadcast %mul3A_55 : i32 to vector<16xi32>
      %mul3A_57 = arith.muli %add3A_50, %mul3A_56 : vector<16xi32>
      %add3A_58 = arith.addi %mul3A_57, %get3A_54 : vector<16xi32>
      tpu.vector_store_idx %arg5[%add3A_58], %broadcast_in_dim3A_10 : memref<16384xf32, #tpu.memory_space<vmem>>[vector<16xi32>], vector<16xf32>,
      %scan3A_59 = arith.constant 3 : i32
      %scan3A_60 = arith.addi %scan3A_19, %scan3A_59 : i32
      %mul3A_61 = arith.constant 16 : i32
      %mul3A_62 = arith.muli %scan3A_60, %mul3A_61 : i32
      %add3A_63 = vector.broadcast %mul3A_62 : i32 to vector<16xi32>
      %add3A_64 = arith.addi %iota3A, %add3A_63 : vector<16xi32>
      %mul3A_65 = arith.constant 16 : i32
      %mul3A_66 = arith.muli %scan3A_60, %mul3A_65 : i32
      %get3A_67 = arith.index_cast %mul3A_66 : i32 to index
      %get3A_68 = tpu.vector_load %arg4[%get3A_67] {strides = array<i32>} : memref<256xi32, #tpu.memory_space<vmem>>, vector<16xi32>,
      %mul3A_69 = arith.constant 64 : i32
      %mul3A_70 = vector.broadcast %mul3A_69 : i32 to vector<16xi32>
      %mul3A_71 = arith.muli %add3A_64, %mul3A_70 : vector<16xi32>
      %add3A_72 = arith.addi %mul3A_71, %get3A_68 : vector<16xi32>
      tpu.vector_store_idx %arg5[%add3A_72], %broadcast_in_dim3A_10 : memref<16384xf32, #tpu.memory_space<vmem>>[vector<16xi32>], vector<16xf32>,
    }
    %scan3A_16 = arith.constant 16 : i32
    %mul3A_17 = arith.constant 64 : i32
    %mul3A_18 = arith.muli %mul3A_2, %mul3A_17 : i32
    "tpu.region"() ({
      %run_scoped3A = tpu.sem_alloc : memref<!tpu.dma_semaphore, #tpu.memory_space<semaphore_mem>>
      %dma_start3A = tpu.memref_slice %arg3[%mul3A_18] : memref<524288xf32, #tpu.memory_space<hbm>> -> memref<16384xf32, #tpu.memory_space<hbm>>
      %dma_start3A_19 = tpu.memref_slice %arg3[%mul3A_18] : memref<524288xf32, #tpu.memory_space<hbm>> -> memref<16384xf32, #tpu.memory_space<hbm>>
      tpu.enqueue_dma source(%arg5 : memref<16384xf32, #tpu.memory_space<vmem>>) target(%dma_start3A_19 : memref<16384xf32, #tpu.memory_space<hbm>>) target_semaphore(%run_scoped3A : memref<!tpu.dma_semaphore, #tpu.memory_space<semaphore_mem>>)
      %dma_wait3A = tpu.memref_slice %arg3[%mul3A_18] : memref<524288xf32, #tpu.memory_space<hbm>> -> memref<16384xf32, #tpu.memory_space<hbm>>
      %dma_wait3A_20 = tpu.memref_slice %arg3[%mul3A_18] : memref<524288xf32, #tpu.memory_space<hbm>> -> memref<16384xf32, #tpu.memory_space<hbm>>
      tpu.wait_dma2 semaphore(%run_scoped3A : memref<!tpu.dma_semaphore, #tpu.memory_space<semaphore_mem>>) src(%arg5 : memref<16384xf32, #tpu.memory_space<vmem>>) dst(%dma_wait3A_20 : memref<16384xf32, #tpu.memory_space<hbm>>)
      tpu.yield
    }) : () -> ()
    return
  }
}

#map = affine_map<(d0, d1) -> (0)>
module attributes {stable_mosaic.version = 14 : i64} {
  func.func @_sc_chunk_body(%arg0: i32, %arg1: i32, %arg2: memref<8192xi32, #tpu.memory_space<hbm>>, %arg3: memref<524288xf32, #tpu.memory_space<hbm>>, %arg4: memref<256xi32, #tpu.memory_space<vmem>>, %arg5: memref<16384xf32, #tpu.memory_space<vmem>>) attributes {dimension_semantics = [#tpu.dimension_semantics<core_parallel>, #tpu.dimension_semantics<subcore_parallel>], iteration_bounds = array<i64: 2, 16>, scalar_prefetch = 0 : i64, scratch_operands = 2 : i64, tpu.core_type = #tpu.core_type<sc_vector_subcore>, window_params = [{transform_indices = #map}, {transform_indices = #map}]} {
    %mul3A = arith.constant 2 : i32
    %mul3A_0 = arith.muli %arg1, %mul3A : i32
    %add3A = arith.addi %mul3A_0, %arg0 : i32
    %mul3A_1 = arith.constant 256 : i32
    %mul3A_2 = arith.muli %add3A, %mul3A_1 : i32
    "tpu.region"() ({
      %run_scoped3A = tpu.sem_alloc : memref<!tpu.dma_semaphore, #tpu.memory_space<semaphore_mem>>
      %dma_start3A = tpu.memref_slice %arg2[%mul3A_2] : memref<8192xi32, #tpu.memory_space<hbm>> -> memref<256xi32, #tpu.memory_space<hbm>>
      %dma_start3A_19 = tpu.memref_slice %arg2[%mul3A_2] : memref<8192xi32, #tpu.memory_space<hbm>> -> memref<256xi32, #tpu.memory_space<hbm>>
      tpu.enqueue_dma source(%dma_start3A_19 : memref<256xi32, #tpu.memory_space<hbm>>) target(%arg4 : memref<256xi32, #tpu.memory_space<vmem>>) target_semaphore(%run_scoped3A : memref<!tpu.dma_semaphore, #tpu.memory_space<semaphore_mem>>)
      %dma_wait3A = tpu.memref_slice %arg2[%mul3A_2] : memref<8192xi32, #tpu.memory_space<hbm>> -> memref<256xi32, #tpu.memory_space<hbm>>
      %dma_wait3A_20 = tpu.memref_slice %arg2[%mul3A_2] : memref<8192xi32, #tpu.memory_space<hbm>> -> memref<256xi32, #tpu.memory_space<hbm>>
      tpu.wait_dma2 semaphore(%run_scoped3A : memref<!tpu.dma_semaphore, #tpu.memory_space<semaphore_mem>>) src(%dma_wait3A_20 : memref<256xi32, #tpu.memory_space<hbm>>) dst(%arg4 : memref<256xi32, #tpu.memory_space<vmem>>)
      tpu.yield
    }) : () -> ()
    %broadcast_in_dim3A = arith.constant 0.000000e+00 : f32
    %broadcast_in_dim3A_3 = vector.broadcast %broadcast_in_dim3A : f32 to vector<16xf32>
    %scan3A = arith.constant 0 : i32
    %scan3A_4 = arith.constant 0 : i32
    %scan3A_5 = arith.constant 1024 : i32
    %scan3A_6 = arith.addi %scan3A_4, %scan3A_5 : i32
    %scan3A_7 = arith.constant 8 : i32
    scf.for %scan3A_19 = %scan3A_4 to %scan3A_6 step %scan3A_7  : i32 {
      %mul3A_20 = arith.constant 16 : i32
      %mul3A_21 = arith.muli %scan3A_19, %mul3A_20 : i32
      %swap3A = arith.index_cast %mul3A_21 : i32 to index
      %swap3A_22 = tpu.vector_load %arg5[%swap3A] {strides = array<i32>} : memref<16384xf32, #tpu.memory_space<vmem>>, vector<16xf32>,
      tpu.vector_store %arg5[%swap3A], %broadcast_in_dim3A_3 {strides = array<i32>} : memref<16384xf32, #tpu.memory_space<vmem>>, vector<16xf32>,
      %scan3A_23 = arith.constant 1 : i32
      %scan3A_24 = arith.addi %scan3A_19, %scan3A_23 : i32
      %mul3A_25 = arith.constant 16 : i32
      %mul3A_26 = arith.muli %scan3A_24, %mul3A_25 : i32
      %swap3A_27 = arith.index_cast %mul3A_26 : i32 to index
      %swap3A_28 = tpu.vector_load %arg5[%swap3A_27] {strides = array<i32>} : memref<16384xf32, #tpu.memory_space<vmem>>, vector<16xf32>,
      tpu.vector_store %arg5[%swap3A_27], %broadcast_in_dim3A_3 {strides = array<i32>} : memref<16384xf32, #tpu.memory_space<vmem>>, vector<16xf32>,
      %scan3A_29 = arith.constant 2 : i32
      %scan3A_30 = arith.addi %scan3A_19, %scan3A_29 : i32
      %mul3A_31 = arith.constant 16 : i32
      %mul3A_32 = arith.muli %scan3A_30, %mul3A_31 : i32
      %swap3A_33 = arith.index_cast %mul3A_32 : i32 to index
      %swap3A_34 = tpu.vector_load %arg5[%swap3A_33] {strides = array<i32>} : memref<16384xf32, #tpu.memory_space<vmem>>, vector<16xf32>,
      tpu.vector_store %arg5[%swap3A_33], %broadcast_in_dim3A_3 {strides = array<i32>} : memref<16384xf32, #tpu.memory_space<vmem>>, vector<16xf32>,
      %scan3A_35 = arith.constant 3 : i32
      %scan3A_36 = arith.addi %scan3A_19, %scan3A_35 : i32
      %mul3A_37 = arith.constant 16 : i32
      %mul3A_38 = arith.muli %scan3A_36, %mul3A_37 : i32
      %swap3A_39 = arith.index_cast %mul3A_38 : i32 to index
      %swap3A_40 = tpu.vector_load %arg5[%swap3A_39] {strides = array<i32>} : memref<16384xf32, #tpu.memory_space<vmem>>, vector<16xf32>,
      tpu.vector_store %arg5[%swap3A_39], %broadcast_in_dim3A_3 {strides = array<i32>} : memref<16384xf32, #tpu.memory_space<vmem>>, vector<16xf32>,
      %scan3A_41 = arith.constant 4 : i32
      %scan3A_42 = arith.addi %scan3A_19, %scan3A_41 : i32
      %mul3A_43 = arith.constant 16 : i32
      %mul3A_44 = arith.muli %scan3A_42, %mul3A_43 : i32
      %swap3A_45 = arith.index_cast %mul3A_44 : i32 to index
      %swap3A_46 = tpu.vector_load %arg5[%swap3A_45] {strides = array<i32>} : memref<16384xf32, #tpu.memory_space<vmem>>, vector<16xf32>,
      tpu.vector_store %arg5[%swap3A_45], %broadcast_in_dim3A_3 {strides = array<i32>} : memref<16384xf32, #tpu.memory_space<vmem>>, vector<16xf32>,
      %scan3A_47 = arith.constant 5 : i32
      %scan3A_48 = arith.addi %scan3A_19, %scan3A_47 : i32
      %mul3A_49 = arith.constant 16 : i32
      %mul3A_50 = arith.muli %scan3A_48, %mul3A_49 : i32
      %swap3A_51 = arith.index_cast %mul3A_50 : i32 to index
      %swap3A_52 = tpu.vector_load %arg5[%swap3A_51] {strides = array<i32>} : memref<16384xf32, #tpu.memory_space<vmem>>, vector<16xf32>,
      tpu.vector_store %arg5[%swap3A_51], %broadcast_in_dim3A_3 {strides = array<i32>} : memref<16384xf32, #tpu.memory_space<vmem>>, vector<16xf32>,
      %scan3A_53 = arith.constant 6 : i32
      %scan3A_54 = arith.addi %scan3A_19, %scan3A_53 : i32
      %mul3A_55 = arith.constant 16 : i32
      %mul3A_56 = arith.muli %scan3A_54, %mul3A_55 : i32
      %swap3A_57 = arith.index_cast %mul3A_56 : i32 to index
      %swap3A_58 = tpu.vector_load %arg5[%swap3A_57] {strides = array<i32>} : memref<16384xf32, #tpu.memory_space<vmem>>, vector<16xf32>,
      tpu.vector_store %arg5[%swap3A_57], %broadcast_in_dim3A_3 {strides = array<i32>} : memref<16384xf32, #tpu.memory_space<vmem>>, vector<16xf32>,
      %scan3A_59 = arith.constant 7 : i32
      %scan3A_60 = arith.addi %scan3A_19, %scan3A_59 : i32
      %mul3A_61 = arith.constant 16 : i32
      %mul3A_62 = arith.muli %scan3A_60, %mul3A_61 : i32
      %swap3A_63 = arith.index_cast %mul3A_62 : i32 to index
      %swap3A_64 = tpu.vector_load %arg5[%swap3A_63] {strides = array<i32>} : memref<16384xf32, #tpu.memory_space<vmem>>, vector<16xf32>,
      tpu.vector_store %arg5[%swap3A_63], %broadcast_in_dim3A_3 {strides = array<i32>} : memref<16384xf32, #tpu.memory_space<vmem>>, vector<16xf32>,
    }
    %scan3A_8 = arith.constant 1024 : i32
    %broadcast_in_dim3A_9 = arith.constant 1.000000e+00 : f32
    %broadcast_in_dim3A_10 = vector.broadcast %broadcast_in_dim3A_9 : f32 to vector<16xf32>
    %iota3A = tpu.iota {dimensions = array<i32: 0>} : vector<16xi32>
    %scan3A_11 = arith.constant 0 : i32
    %scan3A_12 = arith.constant 0 : i32
    %scan3A_13 = arith.constant 16 : i32
    %scan3A_14 = arith.addi %scan3A_12, %scan3A_13 : i32
    %scan3A_15 = arith.constant 4 : i32
    scf.for %scan3A_19 = %scan3A_12 to %scan3A_14 step %scan3A_15  : i32 {
      %mul3A_20 = arith.constant 16 : i32
      %mul3A_21 = arith.muli %scan3A_19, %mul3A_20 : i32
      %add3A_22 = vector.broadcast %mul3A_21 : i32 to vector<16xi32>
      %add3A_23 = arith.addi %iota3A, %add3A_22 : vector<16xi32>
      %mul3A_24 = arith.constant 16 : i32
      %mul3A_25 = arith.muli %scan3A_19, %mul3A_24 : i32
      %get3A = arith.index_cast %mul3A_25 : i32 to index
      %get3A_26 = tpu.vector_load %arg4[%get3A] {strides = array<i32>} : memref<256xi32, #tpu.memory_space<vmem>>, vector<16xi32>,
      %mul3A_27 = arith.constant 64 : i32
      %mul3A_28 = vector.broadcast %mul3A_27 : i32 to vector<16xi32>
      %mul3A_29 = arith.muli %add3A_23, %mul3A_28 : vector<16xi32>
      %add3A_30 = arith.addi %mul3A_29, %get3A_26 : vector<16xi32>
      tpu.vector_store_idx %arg5[%add3A_30], %broadcast_in_dim3A_10 : memref<16384xf32, #tpu.memory_space<vmem>>[vector<16xi32>], vector<16xf32>,
      %scan3A_31 = arith.constant 1 : i32
      %scan3A_32 = arith.addi %scan3A_19, %scan3A_31 : i32
      %mul3A_33 = arith.constant 16 : i32
      %mul3A_34 = arith.muli %scan3A_32, %mul3A_33 : i32
      %add3A_35 = vector.broadcast %mul3A_34 : i32 to vector<16xi32>
      %add3A_36 = arith.addi %iota3A, %add3A_35 : vector<16xi32>
      %mul3A_37 = arith.constant 16 : i32
      %mul3A_38 = arith.muli %scan3A_32, %mul3A_37 : i32
      %get3A_39 = arith.index_cast %mul3A_38 : i32 to index
      %get3A_40 = tpu.vector_load %arg4[%get3A_39] {strides = array<i32>} : memref<256xi32, #tpu.memory_space<vmem>>, vector<16xi32>,
      %mul3A_41 = arith.constant 64 : i32
      %mul3A_42 = vector.broadcast %mul3A_41 : i32 to vector<16xi32>
      %mul3A_43 = arith.muli %add3A_36, %mul3A_42 : vector<16xi32>
      %add3A_44 = arith.addi %mul3A_43, %get3A_40 : vector<16xi32>
      tpu.vector_store_idx %arg5[%add3A_44], %broadcast_in_dim3A_10 : memref<16384xf32, #tpu.memory_space<vmem>>[vector<16xi32>], vector<16xf32>,
      %scan3A_45 = arith.constant 2 : i32
      %scan3A_46 = arith.addi %scan3A_19, %scan3A_45 : i32
      %mul3A_47 = arith.constant 16 : i32
      %mul3A_48 = arith.muli %scan3A_46, %mul3A_47 : i32
      %add3A_49 = vector.broadcast %mul3A_48 : i32 to vector<16xi32>
      %add3A_50 = arith.addi %iota3A, %add3A_49 : vector<16xi32>
      %mul3A_51 = arith.constant 16 : i32
      %mul3A_52 = arith.muli %scan3A_46, %mul3A_51 : i32
      %get3A_53 = arith.index_cast %mul3A_52 : i32 to index
      %get3A_54 = tpu.vector_load %arg4[%get3A_53] {strides = array<i32>} : memref<256xi32, #tpu.memory_space<vmem>>, vector<16xi32>,
      %mul3A_55 = arith.constant 64 : i32
      %mul3A_56 = vector.broadcast %mul3A_55 : i32 to vector<16xi32>
      %mul3A_57 = arith.muli %add3A_50, %mul3A_56 : vector<16xi32>
      %add3A_58 = arith.addi %mul3A_57, %get3A_54 : vector<16xi32>
      tpu.vector_store_idx %arg5[%add3A_58], %broadcast_in_dim3A_10 : memref<16384xf32, #tpu.memory_space<vmem>>[vector<16xi32>], vector<16xf32>,
      %scan3A_59 = arith.constant 3 : i32
      %scan3A_60 = arith.addi %scan3A_19, %scan3A_59 : i32
      %mul3A_61 = arith.constant 16 : i32
      %mul3A_62 = arith.muli %scan3A_60, %mul3A_61 : i32
      %add3A_63 = vector.broadcast %mul3A_62 : i32 to vector<16xi32>
      %add3A_64 = arith.addi %iota3A, %add3A_63 : vector<16xi32>
      %mul3A_65 = arith.constant 16 : i32
      %mul3A_66 = arith.muli %scan3A_60, %mul3A_65 : i32
      %get3A_67 = arith.index_cast %mul3A_66 : i32 to index
      %get3A_68 = tpu.vector_load %arg4[%get3A_67] {strides = array<i32>} : memref<256xi32, #tpu.memory_space<vmem>>, vector<16xi32>,
      %mul3A_69 = arith.constant 64 : i32
      %mul3A_70 = vector.broadcast %mul3A_69 : i32 to vector<16xi32>
      %mul3A_71 = arith.muli %add3A_64, %mul3A_70 : vector<16xi32>
      %add3A_72 = arith.addi %mul3A_71, %get3A_68 : vector<16xi32>
      tpu.vector_store_idx %arg5[%add3A_72], %broadcast_in_dim3A_10 : memref<16384xf32, #tpu.memory_space<vmem>>[vector<16xi32>], vector<16xf32>,
    }
    %scan3A_16 = arith.constant 16 : i32
    %mul3A_17 = arith.constant 64 : i32
    %mul3A_18 = arith.muli %mul3A_2, %mul3A_17 : i32
    "tpu.region"() ({
      %run_scoped3A = tpu.sem_alloc : memref<!tpu.dma_semaphore, #tpu.memory_space<semaphore_mem>>
      %dma_start3A = tpu.memref_slice %arg3[%mul3A_18] : memref<524288xf32, #tpu.memory_space<hbm>> -> memref<16384xf32, #tpu.memory_space<hbm>>
      %dma_start3A_19 = tpu.memref_slice %arg3[%mul3A_18] : memref<524288xf32, #tpu.memory_space<hbm>> -> memref<16384xf32, #tpu.memory_space<hbm>>
      tpu.enqueue_dma source(%arg5 : memref<16384xf32, #tpu.memory_space<vmem>>) target(%dma_start3A_19 : memref<16384xf32, #tpu.memory_space<hbm>>) target_semaphore(%run_scoped3A : memref<!tpu.dma_semaphore, #tpu.memory_space<semaphore_mem>>)
      %dma_wait3A = tpu.memref_slice %arg3[%mul3A_18] : memref<524288xf32, #tpu.memory_space<hbm>> -> memref<16384xf32, #tpu.memory_space<hbm>>
      %dma_wait3A_20 = tpu.memref_slice %arg3[%mul3A_18] : memref<524288xf32, #tpu.memory_space<hbm>> -> memref<16384xf32, #tpu.memory_space<hbm>>
      tpu.wait_dma2 semaphore(%run_scoped3A : memref<!tpu.dma_semaphore, #tpu.memory_space<semaphore_mem>>) src(%arg5 : memref<16384xf32, #tpu.memory_space<vmem>>) dst(%dma_wait3A_20 : memref<16384xf32, #tpu.memory_space<hbm>>)
      tpu.yield
    }) : () -> ()
    return
  }
}

#map = affine_map<(d0, d1) -> (0)>
module attributes {stable_mosaic.version = 14 : i64} {
  func.func @_sc_chunk_body(%arg0: i32, %arg1: i32, %arg2: memref<8192xi32, #tpu.memory_space<hbm>>, %arg3: memref<524288xf32, #tpu.memory_space<hbm>>, %arg4: memref<256xi32, #tpu.memory_space<vmem>>, %arg5: memref<16384xf32, #tpu.memory_space<vmem>>) attributes {dimension_semantics = [#tpu.dimension_semantics<core_parallel>, #tpu.dimension_semantics<subcore_parallel>], iteration_bounds = array<i64: 2, 16>, scalar_prefetch = 0 : i64, scratch_operands = 2 : i64, tpu.core_type = #tpu.core_type<sc_vector_subcore>, window_params = [{transform_indices = #map}, {transform_indices = #map}]} {
    %mul3A = arith.constant 2 : i32
    %mul3A_0 = arith.muli %arg1, %mul3A : i32
    %add3A = arith.addi %mul3A_0, %arg0 : i32
    %mul3A_1 = arith.constant 256 : i32
    %mul3A_2 = arith.muli %add3A, %mul3A_1 : i32
    "tpu.region"() ({
      %run_scoped3A = tpu.sem_alloc : memref<!tpu.dma_semaphore, #tpu.memory_space<semaphore_mem>>
      %dma_start3A = tpu.memref_slice %arg2[%mul3A_2] : memref<8192xi32, #tpu.memory_space<hbm>> -> memref<256xi32, #tpu.memory_space<hbm>>
      %dma_start3A_19 = tpu.memref_slice %arg2[%mul3A_2] : memref<8192xi32, #tpu.memory_space<hbm>> -> memref<256xi32, #tpu.memory_space<hbm>>
      tpu.enqueue_dma source(%dma_start3A_19 : memref<256xi32, #tpu.memory_space<hbm>>) target(%arg4 : memref<256xi32, #tpu.memory_space<vmem>>) target_semaphore(%run_scoped3A : memref<!tpu.dma_semaphore, #tpu.memory_space<semaphore_mem>>)
      %dma_wait3A = tpu.memref_slice %arg2[%mul3A_2] : memref<8192xi32, #tpu.memory_space<hbm>> -> memref<256xi32, #tpu.memory_space<hbm>>
      %dma_wait3A_20 = tpu.memref_slice %arg2[%mul3A_2] : memref<8192xi32, #tpu.memory_space<hbm>> -> memref<256xi32, #tpu.memory_space<hbm>>
      tpu.wait_dma2 semaphore(%run_scoped3A : memref<!tpu.dma_semaphore, #tpu.memory_space<semaphore_mem>>) src(%dma_wait3A_20 : memref<256xi32, #tpu.memory_space<hbm>>) dst(%arg4 : memref<256xi32, #tpu.memory_space<vmem>>)
      tpu.yield
    }) : () -> ()
    %broadcast_in_dim3A = arith.constant 0.000000e+00 : f32
    %broadcast_in_dim3A_3 = vector.broadcast %broadcast_in_dim3A : f32 to vector<16xf32>
    %scan3A = arith.constant 0 : i32
    %scan3A_4 = arith.constant 0 : i32
    %scan3A_5 = arith.constant 1024 : i32
    %scan3A_6 = arith.addi %scan3A_4, %scan3A_5 : i32
    %scan3A_7 = arith.constant 8 : i32
    scf.for %scan3A_19 = %scan3A_4 to %scan3A_6 step %scan3A_7  : i32 {
      %mul3A_20 = arith.constant 16 : i32
      %mul3A_21 = arith.muli %scan3A_19, %mul3A_20 : i32
      %swap3A = arith.index_cast %mul3A_21 : i32 to index
      %swap3A_22 = tpu.vector_load %arg5[%swap3A] {strides = array<i32>} : memref<16384xf32, #tpu.memory_space<vmem>>, vector<16xf32>,
      tpu.vector_store %arg5[%swap3A], %broadcast_in_dim3A_3 {strides = array<i32>} : memref<16384xf32, #tpu.memory_space<vmem>>, vector<16xf32>,
      %scan3A_23 = arith.constant 1 : i32
      %scan3A_24 = arith.addi %scan3A_19, %scan3A_23 : i32
      %mul3A_25 = arith.constant 16 : i32
      %mul3A_26 = arith.muli %scan3A_24, %mul3A_25 : i32
      %swap3A_27 = arith.index_cast %mul3A_26 : i32 to index
      %swap3A_28 = tpu.vector_load %arg5[%swap3A_27] {strides = array<i32>} : memref<16384xf32, #tpu.memory_space<vmem>>, vector<16xf32>,
      tpu.vector_store %arg5[%swap3A_27], %broadcast_in_dim3A_3 {strides = array<i32>} : memref<16384xf32, #tpu.memory_space<vmem>>, vector<16xf32>,
      %scan3A_29 = arith.constant 2 : i32
      %scan3A_30 = arith.addi %scan3A_19, %scan3A_29 : i32
      %mul3A_31 = arith.constant 16 : i32
      %mul3A_32 = arith.muli %scan3A_30, %mul3A_31 : i32
      %swap3A_33 = arith.index_cast %mul3A_32 : i32 to index
      %swap3A_34 = tpu.vector_load %arg5[%swap3A_33] {strides = array<i32>} : memref<16384xf32, #tpu.memory_space<vmem>>, vector<16xf32>,
      tpu.vector_store %arg5[%swap3A_33], %broadcast_in_dim3A_3 {strides = array<i32>} : memref<16384xf32, #tpu.memory_space<vmem>>, vector<16xf32>,
      %scan3A_35 = arith.constant 3 : i32
      %scan3A_36 = arith.addi %scan3A_19, %scan3A_35 : i32
      %mul3A_37 = arith.constant 16 : i32
      %mul3A_38 = arith.muli %scan3A_36, %mul3A_37 : i32
      %swap3A_39 = arith.index_cast %mul3A_38 : i32 to index
      %swap3A_40 = tpu.vector_load %arg5[%swap3A_39] {strides = array<i32>} : memref<16384xf32, #tpu.memory_space<vmem>>, vector<16xf32>,
      tpu.vector_store %arg5[%swap3A_39], %broadcast_in_dim3A_3 {strides = array<i32>} : memref<16384xf32, #tpu.memory_space<vmem>>, vector<16xf32>,
      %scan3A_41 = arith.constant 4 : i32
      %scan3A_42 = arith.addi %scan3A_19, %scan3A_41 : i32
      %mul3A_43 = arith.constant 16 : i32
      %mul3A_44 = arith.muli %scan3A_42, %mul3A_43 : i32
      %swap3A_45 = arith.index_cast %mul3A_44 : i32 to index
      %swap3A_46 = tpu.vector_load %arg5[%swap3A_45] {strides = array<i32>} : memref<16384xf32, #tpu.memory_space<vmem>>, vector<16xf32>,
      tpu.vector_store %arg5[%swap3A_45], %broadcast_in_dim3A_3 {strides = array<i32>} : memref<16384xf32, #tpu.memory_space<vmem>>, vector<16xf32>,
      %scan3A_47 = arith.constant 5 : i32
      %scan3A_48 = arith.addi %scan3A_19, %scan3A_47 : i32
      %mul3A_49 = arith.constant 16 : i32
      %mul3A_50 = arith.muli %scan3A_48, %mul3A_49 : i32
      %swap3A_51 = arith.index_cast %mul3A_50 : i32 to index
      %swap3A_52 = tpu.vector_load %arg5[%swap3A_51] {strides = array<i32>} : memref<16384xf32, #tpu.memory_space<vmem>>, vector<16xf32>,
      tpu.vector_store %arg5[%swap3A_51], %broadcast_in_dim3A_3 {strides = array<i32>} : memref<16384xf32, #tpu.memory_space<vmem>>, vector<16xf32>,
      %scan3A_53 = arith.constant 6 : i32
      %scan3A_54 = arith.addi %scan3A_19, %scan3A_53 : i32
      %mul3A_55 = arith.constant 16 : i32
      %mul3A_56 = arith.muli %scan3A_54, %mul3A_55 : i32
      %swap3A_57 = arith.index_cast %mul3A_56 : i32 to index
      %swap3A_58 = tpu.vector_load %arg5[%swap3A_57] {strides = array<i32>} : memref<16384xf32, #tpu.memory_space<vmem>>, vector<16xf32>,
      tpu.vector_store %arg5[%swap3A_57], %broadcast_in_dim3A_3 {strides = array<i32>} : memref<16384xf32, #tpu.memory_space<vmem>>, vector<16xf32>,
      %scan3A_59 = arith.constant 7 : i32
      %scan3A_60 = arith.addi %scan3A_19, %scan3A_59 : i32
      %mul3A_61 = arith.constant 16 : i32
      %mul3A_62 = arith.muli %scan3A_60, %mul3A_61 : i32
      %swap3A_63 = arith.index_cast %mul3A_62 : i32 to index
      %swap3A_64 = tpu.vector_load %arg5[%swap3A_63] {strides = array<i32>} : memref<16384xf32, #tpu.memory_space<vmem>>, vector<16xf32>,
      tpu.vector_store %arg5[%swap3A_63], %broadcast_in_dim3A_3 {strides = array<i32>} : memref<16384xf32, #tpu.memory_space<vmem>>, vector<16xf32>,
    }
    %scan3A_8 = arith.constant 1024 : i32
    %broadcast_in_dim3A_9 = arith.constant 1.000000e+00 : f32
    %broadcast_in_dim3A_10 = vector.broadcast %broadcast_in_dim3A_9 : f32 to vector<16xf32>
    %iota3A = tpu.iota {dimensions = array<i32: 0>} : vector<16xi32>
    %scan3A_11 = arith.constant 0 : i32
    %scan3A_12 = arith.constant 0 : i32
    %scan3A_13 = arith.constant 16 : i32
    %scan3A_14 = arith.addi %scan3A_12, %scan3A_13 : i32
    %scan3A_15 = arith.constant 4 : i32
    scf.for %scan3A_19 = %scan3A_12 to %scan3A_14 step %scan3A_15  : i32 {
      %mul3A_20 = arith.constant 16 : i32
      %mul3A_21 = arith.muli %scan3A_19, %mul3A_20 : i32
      %add3A_22 = vector.broadcast %mul3A_21 : i32 to vector<16xi32>
      %add3A_23 = arith.addi %iota3A, %add3A_22 : vector<16xi32>
      %mul3A_24 = arith.constant 16 : i32
      %mul3A_25 = arith.muli %scan3A_19, %mul3A_24 : i32
      %get3A = arith.index_cast %mul3A_25 : i32 to index
      %get3A_26 = tpu.vector_load %arg4[%get3A] {strides = array<i32>} : memref<256xi32, #tpu.memory_space<vmem>>, vector<16xi32>,
      %mul3A_27 = arith.constant 64 : i32
      %mul3A_28 = vector.broadcast %mul3A_27 : i32 to vector<16xi32>
      %mul3A_29 = arith.muli %add3A_23, %mul3A_28 : vector<16xi32>
      %add3A_30 = arith.addi %mul3A_29, %get3A_26 : vector<16xi32>
      tpu.vector_store_idx %arg5[%add3A_30], %broadcast_in_dim3A_10 : memref<16384xf32, #tpu.memory_space<vmem>>[vector<16xi32>], vector<16xf32>,
      %scan3A_31 = arith.constant 1 : i32
      %scan3A_32 = arith.addi %scan3A_19, %scan3A_31 : i32
      %mul3A_33 = arith.constant 16 : i32
      %mul3A_34 = arith.muli %scan3A_32, %mul3A_33 : i32
      %add3A_35 = vector.broadcast %mul3A_34 : i32 to vector<16xi32>
      %add3A_36 = arith.addi %iota3A, %add3A_35 : vector<16xi32>
      %mul3A_37 = arith.constant 16 : i32
      %mul3A_38 = arith.muli %scan3A_32, %mul3A_37 : i32
      %get3A_39 = arith.index_cast %mul3A_38 : i32 to index
      %get3A_40 = tpu.vector_load %arg4[%get3A_39] {strides = array<i32>} : memref<256xi32, #tpu.memory_space<vmem>>, vector<16xi32>,
      %mul3A_41 = arith.constant 64 : i32
      %mul3A_42 = vector.broadcast %mul3A_41 : i32 to vector<16xi32>
      %mul3A_43 = arith.muli %add3A_36, %mul3A_42 : vector<16xi32>
      %add3A_44 = arith.addi %mul3A_43, %get3A_40 : vector<16xi32>
      tpu.vector_store_idx %arg5[%add3A_44], %broadcast_in_dim3A_10 : memref<16384xf32, #tpu.memory_space<vmem>>[vector<16xi32>], vector<16xf32>,
      %scan3A_45 = arith.constant 2 : i32
      %scan3A_46 = arith.addi %scan3A_19, %scan3A_45 : i32
      %mul3A_47 = arith.constant 16 : i32
      %mul3A_48 = arith.muli %scan3A_46, %mul3A_47 : i32
      %add3A_49 = vector.broadcast %mul3A_48 : i32 to vector<16xi32>
      %add3A_50 = arith.addi %iota3A, %add3A_49 : vector<16xi32>
      %mul3A_51 = arith.constant 16 : i32
      %mul3A_52 = arith.muli %scan3A_46, %mul3A_51 : i32
      %get3A_53 = arith.index_cast %mul3A_52 : i32 to index
      %get3A_54 = tpu.vector_load %arg4[%get3A_53] {strides = array<i32>} : memref<256xi32, #tpu.memory_space<vmem>>, vector<16xi32>,
      %mul3A_55 = arith.constant 64 : i32
      %mul3A_56 = vector.broadcast %mul3A_55 : i32 to vector<16xi32>
      %mul3A_57 = arith.muli %add3A_50, %mul3A_56 : vector<16xi32>
      %add3A_58 = arith.addi %mul3A_57, %get3A_54 : vector<16xi32>
      tpu.vector_store_idx %arg5[%add3A_58], %broadcast_in_dim3A_10 : memref<16384xf32, #tpu.memory_space<vmem>>[vector<16xi32>], vector<16xf32>,
      %scan3A_59 = arith.constant 3 : i32
      %scan3A_60 = arith.addi %scan3A_19, %scan3A_59 : i32
      %mul3A_61 = arith.constant 16 : i32
      %mul3A_62 = arith.muli %scan3A_60, %mul3A_61 : i32
      %add3A_63 = vector.broadcast %mul3A_62 : i32 to vector<16xi32>
      %add3A_64 = arith.addi %iota3A, %add3A_63 : vector<16xi32>
      %mul3A_65 = arith.constant 16 : i32
      %mul3A_66 = arith.muli %scan3A_60, %mul3A_65 : i32
      %get3A_67 = arith.index_cast %mul3A_66 : i32 to index
      %get3A_68 = tpu.vector_load %arg4[%get3A_67] {strides = array<i32>} : memref<256xi32, #tpu.memory_space<vmem>>, vector<16xi32>,
      %mul3A_69 = arith.constant 64 : i32
      %mul3A_70 = vector.broadcast %mul3A_69 : i32 to vector<16xi32>
      %mul3A_71 = arith.muli %add3A_64, %mul3A_70 : vector<16xi32>
      %add3A_72 = arith.addi %mul3A_71, %get3A_68 : vector<16xi32>
      tpu.vector_store_idx %arg5[%add3A_72], %broadcast_in_dim3A_10 : memref<16384xf32, #tpu.memory_space<vmem>>[vector<16xi32>], vector<16xf32>,
    }
    %scan3A_16 = arith.constant 16 : i32
    %mul3A_17 = arith.constant 64 : i32
    %mul3A_18 = arith.muli %mul3A_2, %mul3A_17 : i32
    "tpu.region"() ({
      %run_scoped3A = tpu.sem_alloc : memref<!tpu.dma_semaphore, #tpu.memory_space<semaphore_mem>>
      %dma_start3A = tpu.memref_slice %arg3[%mul3A_18] : memref<524288xf32, #tpu.memory_space<hbm>> -> memref<16384xf32, #tpu.memory_space<hbm>>
      %dma_start3A_19 = tpu.memref_slice %arg3[%mul3A_18] : memref<524288xf32, #tpu.memory_space<hbm>> -> memref<16384xf32, #tpu.memory_space<hbm>>
      tpu.enqueue_dma source(%arg5 : memref<16384xf32, #tpu.memory_space<vmem>>) target(%dma_start3A_19 : memref<16384xf32, #tpu.memory_space<hbm>>) target_semaphore(%run_scoped3A : memref<!tpu.dma_semaphore, #tpu.memory_space<semaphore_mem>>)
      %dma_wait3A = tpu.memref_slice %arg3[%mul3A_18] : memref<524288xf32, #tpu.memory_space<hbm>> -> memref<16384xf32, #tpu.memory_space<hbm>>
      %dma_wait3A_20 = tpu.memref_slice %arg3[%mul3A_18] : memref<524288xf32, #tpu.memory_space<hbm>> -> memref<16384xf32, #tpu.memory_space<hbm>>
      tpu.wait_dma2 semaphore(%run_scoped3A : memref<!tpu.dma_semaphore, #tpu.memory_space<semaphore_mem>>) src(%arg5 : memref<16384xf32, #tpu.memory_space<vmem>>) dst(%dma_wait3A_20 : memref<16384xf32, #tpu.memory_space<hbm>>)
      tpu.yield
    }) : () -> ()
    return
  }
}

#map = affine_map<(d0, d1) -> (0)>
module attributes {stable_mosaic.version = 14 : i64} {
  func.func @_sc_chunk_body(%arg0: i32, %arg1: i32, %arg2: memref<8192xi32, #tpu.memory_space<hbm>>, %arg3: memref<524288xf32, #tpu.memory_space<hbm>>, %arg4: memref<256xi32, #tpu.memory_space<vmem>>, %arg5: memref<16384xf32, #tpu.memory_space<vmem>>) attributes {dimension_semantics = [#tpu.dimension_semantics<core_parallel>, #tpu.dimension_semantics<subcore_parallel>], iteration_bounds = array<i64: 2, 16>, scalar_prefetch = 0 : i64, scratch_operands = 2 : i64, tpu.core_type = #tpu.core_type<sc_vector_subcore>, window_params = [{transform_indices = #map}, {transform_indices = #map}]} {
    %mul3A = arith.constant 2 : i32
    %mul3A_0 = arith.muli %arg1, %mul3A : i32
    %add3A = arith.addi %mul3A_0, %arg0 : i32
    %mul3A_1 = arith.constant 256 : i32
    %mul3A_2 = arith.muli %add3A, %mul3A_1 : i32
    "tpu.region"() ({
      %run_scoped3A = tpu.sem_alloc : memref<!tpu.dma_semaphore, #tpu.memory_space<semaphore_mem>>
      %dma_start3A = tpu.memref_slice %arg2[%mul3A_2] : memref<8192xi32, #tpu.memory_space<hbm>> -> memref<256xi32, #tpu.memory_space<hbm>>
      %dma_start3A_19 = tpu.memref_slice %arg2[%mul3A_2] : memref<8192xi32, #tpu.memory_space<hbm>> -> memref<256xi32, #tpu.memory_space<hbm>>
      tpu.enqueue_dma source(%dma_start3A_19 : memref<256xi32, #tpu.memory_space<hbm>>) target(%arg4 : memref<256xi32, #tpu.memory_space<vmem>>) target_semaphore(%run_scoped3A : memref<!tpu.dma_semaphore, #tpu.memory_space<semaphore_mem>>)
      %dma_wait3A = tpu.memref_slice %arg2[%mul3A_2] : memref<8192xi32, #tpu.memory_space<hbm>> -> memref<256xi32, #tpu.memory_space<hbm>>
      %dma_wait3A_20 = tpu.memref_slice %arg2[%mul3A_2] : memref<8192xi32, #tpu.memory_space<hbm>> -> memref<256xi32, #tpu.memory_space<hbm>>
      tpu.wait_dma2 semaphore(%run_scoped3A : memref<!tpu.dma_semaphore, #tpu.memory_space<semaphore_mem>>) src(%dma_wait3A_20 : memref<256xi32, #tpu.memory_space<hbm>>) dst(%arg4 : memref<256xi32, #tpu.memory_space<vmem>>)
      tpu.yield
    }) : () -> ()
    %broadcast_in_dim3A = arith.constant 0.000000e+00 : f32
    %broadcast_in_dim3A_3 = vector.broadcast %broadcast_in_dim3A : f32 to vector<16xf32>
    %scan3A = arith.constant 0 : i32
    %scan3A_4 = arith.constant 0 : i32
    %scan3A_5 = arith.constant 1024 : i32
    %scan3A_6 = arith.addi %scan3A_4, %scan3A_5 : i32
    %scan3A_7 = arith.constant 8 : i32
    scf.for %scan3A_19 = %scan3A_4 to %scan3A_6 step %scan3A_7  : i32 {
      %mul3A_20 = arith.constant 16 : i32
      %mul3A_21 = arith.muli %scan3A_19, %mul3A_20 : i32
      %swap3A = arith.index_cast %mul3A_21 : i32 to index
      %swap3A_22 = tpu.vector_load %arg5[%swap3A] {strides = array<i32>} : memref<16384xf32, #tpu.memory_space<vmem>>, vector<16xf32>,
      tpu.vector_store %arg5[%swap3A], %broadcast_in_dim3A_3 {strides = array<i32>} : memref<16384xf32, #tpu.memory_space<vmem>>, vector<16xf32>,
      %scan3A_23 = arith.constant 1 : i32
      %scan3A_24 = arith.addi %scan3A_19, %scan3A_23 : i32
      %mul3A_25 = arith.constant 16 : i32
      %mul3A_26 = arith.muli %scan3A_24, %mul3A_25 : i32
      %swap3A_27 = arith.index_cast %mul3A_26 : i32 to index
      %swap3A_28 = tpu.vector_load %arg5[%swap3A_27] {strides = array<i32>} : memref<16384xf32, #tpu.memory_space<vmem>>, vector<16xf32>,
      tpu.vector_store %arg5[%swap3A_27], %broadcast_in_dim3A_3 {strides = array<i32>} : memref<16384xf32, #tpu.memory_space<vmem>>, vector<16xf32>,
      %scan3A_29 = arith.constant 2 : i32
      %scan3A_30 = arith.addi %scan3A_19, %scan3A_29 : i32
      %mul3A_31 = arith.constant 16 : i32
      %mul3A_32 = arith.muli %scan3A_30, %mul3A_31 : i32
      %swap3A_33 = arith.index_cast %mul3A_32 : i32 to index
      %swap3A_34 = tpu.vector_load %arg5[%swap3A_33] {strides = array<i32>} : memref<16384xf32, #tpu.memory_space<vmem>>, vector<16xf32>,
      tpu.vector_store %arg5[%swap3A_33], %broadcast_in_dim3A_3 {strides = array<i32>} : memref<16384xf32, #tpu.memory_space<vmem>>, vector<16xf32>,
      %scan3A_35 = arith.constant 3 : i32
      %scan3A_36 = arith.addi %scan3A_19, %scan3A_35 : i32
      %mul3A_37 = arith.constant 16 : i32
      %mul3A_38 = arith.muli %scan3A_36, %mul3A_37 : i32
      %swap3A_39 = arith.index_cast %mul3A_38 : i32 to index
      %swap3A_40 = tpu.vector_load %arg5[%swap3A_39] {strides = array<i32>} : memref<16384xf32, #tpu.memory_space<vmem>>, vector<16xf32>,
      tpu.vector_store %arg5[%swap3A_39], %broadcast_in_dim3A_3 {strides = array<i32>} : memref<16384xf32, #tpu.memory_space<vmem>>, vector<16xf32>,
      %scan3A_41 = arith.constant 4 : i32
      %scan3A_42 = arith.addi %scan3A_19, %scan3A_41 : i32
      %mul3A_43 = arith.constant 16 : i32
      %mul3A_44 = arith.muli %scan3A_42, %mul3A_43 : i32
      %swap3A_45 = arith.index_cast %mul3A_44 : i32 to index
      %swap3A_46 = tpu.vector_load %arg5[%swap3A_45] {strides = array<i32>} : memref<16384xf32, #tpu.memory_space<vmem>>, vector<16xf32>,
      tpu.vector_store %arg5[%swap3A_45], %broadcast_in_dim3A_3 {strides = array<i32>} : memref<16384xf32, #tpu.memory_space<vmem>>, vector<16xf32>,
      %scan3A_47 = arith.constant 5 : i32
      %scan3A_48 = arith.addi %scan3A_19, %scan3A_47 : i32
      %mul3A_49 = arith.constant 16 : i32
      %mul3A_50 = arith.muli %scan3A_48, %mul3A_49 : i32
      %swap3A_51 = arith.index_cast %mul3A_50 : i32 to index
      %swap3A_52 = tpu.vector_load %arg5[%swap3A_51] {strides = array<i32>} : memref<16384xf32, #tpu.memory_space<vmem>>, vector<16xf32>,
      tpu.vector_store %arg5[%swap3A_51], %broadcast_in_dim3A_3 {strides = array<i32>} : memref<16384xf32, #tpu.memory_space<vmem>>, vector<16xf32>,
      %scan3A_53 = arith.constant 6 : i32
      %scan3A_54 = arith.addi %scan3A_19, %scan3A_53 : i32
      %mul3A_55 = arith.constant 16 : i32
      %mul3A_56 = arith.muli %scan3A_54, %mul3A_55 : i32
      %swap3A_57 = arith.index_cast %mul3A_56 : i32 to index
      %swap3A_58 = tpu.vector_load %arg5[%swap3A_57] {strides = array<i32>} : memref<16384xf32, #tpu.memory_space<vmem>>, vector<16xf32>,
      tpu.vector_store %arg5[%swap3A_57], %broadcast_in_dim3A_3 {strides = array<i32>} : memref<16384xf32, #tpu.memory_space<vmem>>, vector<16xf32>,
      %scan3A_59 = arith.constant 7 : i32
      %scan3A_60 = arith.addi %scan3A_19, %scan3A_59 : i32
      %mul3A_61 = arith.constant 16 : i32
      %mul3A_62 = arith.muli %scan3A_60, %mul3A_61 : i32
      %swap3A_63 = arith.index_cast %mul3A_62 : i32 to index
      %swap3A_64 = tpu.vector_load %arg5[%swap3A_63] {strides = array<i32>} : memref<16384xf32, #tpu.memory_space<vmem>>, vector<16xf32>,
      tpu.vector_store %arg5[%swap3A_63], %broadcast_in_dim3A_3 {strides = array<i32>} : memref<16384xf32, #tpu.memory_space<vmem>>, vector<16xf32>,
    }
    %scan3A_8 = arith.constant 1024 : i32
    %broadcast_in_dim3A_9 = arith.constant 1.000000e+00 : f32
    %broadcast_in_dim3A_10 = vector.broadcast %broadcast_in_dim3A_9 : f32 to vector<16xf32>
    %iota3A = tpu.iota {dimensions = array<i32: 0>} : vector<16xi32>
    %scan3A_11 = arith.constant 0 : i32
    %scan3A_12 = arith.constant 0 : i32
    %scan3A_13 = arith.constant 16 : i32
    %scan3A_14 = arith.addi %scan3A_12, %scan3A_13 : i32
    %scan3A_15 = arith.constant 4 : i32
    scf.for %scan3A_19 = %scan3A_12 to %scan3A_14 step %scan3A_15  : i32 {
      %mul3A_20 = arith.constant 16 : i32
      %mul3A_21 = arith.muli %scan3A_19, %mul3A_20 : i32
      %add3A_22 = vector.broadcast %mul3A_21 : i32 to vector<16xi32>
      %add3A_23 = arith.addi %iota3A, %add3A_22 : vector<16xi32>
      %mul3A_24 = arith.constant 16 : i32
      %mul3A_25 = arith.muli %scan3A_19, %mul3A_24 : i32
      %get3A = arith.index_cast %mul3A_25 : i32 to index
      %get3A_26 = tpu.vector_load %arg4[%get3A] {strides = array<i32>} : memref<256xi32, #tpu.memory_space<vmem>>, vector<16xi32>,
      %mul3A_27 = arith.constant 64 : i32
      %mul3A_28 = vector.broadcast %mul3A_27 : i32 to vector<16xi32>
      %mul3A_29 = arith.muli %add3A_23, %mul3A_28 : vector<16xi32>
      %add3A_30 = arith.addi %mul3A_29, %get3A_26 : vector<16xi32>
      tpu.vector_store_idx %arg5[%add3A_30], %broadcast_in_dim3A_10 : memref<16384xf32, #tpu.memory_space<vmem>>[vector<16xi32>], vector<16xf32>,
      %scan3A_31 = arith.constant 1 : i32
      %scan3A_32 = arith.addi %scan3A_19, %scan3A_31 : i32
      %mul3A_33 = arith.constant 16 : i32
      %mul3A_34 = arith.muli %scan3A_32, %mul3A_33 : i32
      %add3A_35 = vector.broadcast %mul3A_34 : i32 to vector<16xi32>
      %add3A_36 = arith.addi %iota3A, %add3A_35 : vector<16xi32>
      %mul3A_37 = arith.constant 16 : i32
      %mul3A_38 = arith.muli %scan3A_32, %mul3A_37 : i32
      %get3A_39 = arith.index_cast %mul3A_38 : i32 to index
      %get3A_40 = tpu.vector_load %arg4[%get3A_39] {strides = array<i32>} : memref<256xi32, #tpu.memory_space<vmem>>, vector<16xi32>,
      %mul3A_41 = arith.constant 64 : i32
      %mul3A_42 = vector.broadcast %mul3A_41 : i32 to vector<16xi32>
      %mul3A_43 = arith.muli %add3A_36, %mul3A_42 : vector<16xi32>
      %add3A_44 = arith.addi %mul3A_43, %get3A_40 : vector<16xi32>
      tpu.vector_store_idx %arg5[%add3A_44], %broadcast_in_dim3A_10 : memref<16384xf32, #tpu.memory_space<vmem>>[vector<16xi32>], vector<16xf32>,
      %scan3A_45 = arith.constant 2 : i32
      %scan3A_46 = arith.addi %scan3A_19, %scan3A_45 : i32
      %mul3A_47 = arith.constant 16 : i32
      %mul3A_48 = arith.muli %scan3A_46, %mul3A_47 : i32
      %add3A_49 = vector.broadcast %mul3A_48 : i32 to vector<16xi32>
      %add3A_50 = arith.addi %iota3A, %add3A_49 : vector<16xi32>
      %mul3A_51 = arith.constant 16 : i32
      %mul3A_52 = arith.muli %scan3A_46, %mul3A_51 : i32
      %get3A_53 = arith.index_cast %mul3A_52 : i32 to index
      %get3A_54 = tpu.vector_load %arg4[%get3A_53] {strides = array<i32>} : memref<256xi32, #tpu.memory_space<vmem>>, vector<16xi32>,
      %mul3A_55 = arith.constant 64 : i32
      %mul3A_56 = vector.broadcast %mul3A_55 : i32 to vector<16xi32>
      %mul3A_57 = arith.muli %add3A_50, %mul3A_56 : vector<16xi32>
      %add3A_58 = arith.addi %mul3A_57, %get3A_54 : vector<16xi32>
      tpu.vector_store_idx %arg5[%add3A_58], %broadcast_in_dim3A_10 : memref<16384xf32, #tpu.memory_space<vmem>>[vector<16xi32>], vector<16xf32>,
      %scan3A_59 = arith.constant 3 : i32
      %scan3A_60 = arith.addi %scan3A_19, %scan3A_59 : i32
      %mul3A_61 = arith.constant 16 : i32
      %mul3A_62 = arith.muli %scan3A_60, %mul3A_61 : i32
      %add3A_63 = vector.broadcast %mul3A_62 : i32 to vector<16xi32>
      %add3A_64 = arith.addi %iota3A, %add3A_63 : vector<16xi32>
      %mul3A_65 = arith.constant 16 : i32
      %mul3A_66 = arith.muli %scan3A_60, %mul3A_65 : i32
      %get3A_67 = arith.index_cast %mul3A_66 : i32 to index
      %get3A_68 = tpu.vector_load %arg4[%get3A_67] {strides = array<i32>} : memref<256xi32, #tpu.memory_space<vmem>>, vector<16xi32>,
      %mul3A_69 = arith.constant 64 : i32
      %mul3A_70 = vector.broadcast %mul3A_69 : i32 to vector<16xi32>
      %mul3A_71 = arith.muli %add3A_64, %mul3A_70 : vector<16xi32>
      %add3A_72 = arith.addi %mul3A_71, %get3A_68 : vector<16xi32>
      tpu.vector_store_idx %arg5[%add3A_72], %broadcast_in_dim3A_10 : memref<16384xf32, #tpu.memory_space<vmem>>[vector<16xi32>], vector<16xf32>,
    }
    %scan3A_16 = arith.constant 16 : i32
    %mul3A_17 = arith.constant 64 : i32
    %mul3A_18 = arith.muli %mul3A_2, %mul3A_17 : i32
    "tpu.region"() ({
      %run_scoped3A = tpu.sem_alloc : memref<!tpu.dma_semaphore, #tpu.memory_space<semaphore_mem>>
      %dma_start3A = tpu.memref_slice %arg3[%mul3A_18] : memref<524288xf32, #tpu.memory_space<hbm>> -> memref<16384xf32, #tpu.memory_space<hbm>>
      %dma_start3A_19 = tpu.memref_slice %arg3[%mul3A_18] : memref<524288xf32, #tpu.memory_space<hbm>> -> memref<16384xf32, #tpu.memory_space<hbm>>
      tpu.enqueue_dma source(%arg5 : memref<16384xf32, #tpu.memory_space<vmem>>) target(%dma_start3A_19 : memref<16384xf32, #tpu.memory_space<hbm>>) target_semaphore(%run_scoped3A : memref<!tpu.dma_semaphore, #tpu.memory_space<semaphore_mem>>)
      %dma_wait3A = tpu.memref_slice %arg3[%mul3A_18] : memref<524288xf32, #tpu.memory_space<hbm>> -> memref<16384xf32, #tpu.memory_space<hbm>>
      %dma_wait3A_20 = tpu.memref_slice %arg3[%mul3A_18] : memref<524288xf32, #tpu.memory_space<hbm>> -> memref<16384xf32, #tpu.memory_space<hbm>>
      tpu.wait_dma2 semaphore(%run_scoped3A : memref<!tpu.dma_semaphore, #tpu.memory_space<semaphore_mem>>) src(%arg5 : memref<16384xf32, #tpu.memory_space<vmem>>) dst(%dma_wait3A_20 : memref<16384xf32, #tpu.memory_space<hbm>>)
      tpu.yield
    }) : () -> ()
    return
  }
}

module attributes {stable_mosaic.version = 14 : i64} {
  func.func @_idx_body(%arg0: i32, %arg1: memref<4096x768xf32, #tpu.memory_space<vmem>>, %arg2: memref<64x768xf32, #tpu.memory_space<vmem>>, %arg3: memref<64x1xf32, #tpu.memory_space<vmem>>, %arg4: memref<4096xi32, #tpu.memory_space<vmem>>) attributes {dimension_semantics = [#tpu.dimension_semantics<arbitrary>], iteration_bounds = array<i64: 2>, scalar_prefetch = 0 : i64, scratch_operands = 0 : i64, tpu.core_type = #tpu.core_type<tc>, window_params = [{transform_indices = @transform_0, window_bounds = array<i64: 4096, 768>}, {pipeline_mode = #tpu.pipeline_mode<synchronous>, transform_indices = @transform_1, window_bounds = array<i64: 64, 768>}, {pipeline_mode = #tpu.pipeline_mode<synchronous>, transform_indices = @transform_2, window_bounds = array<i64: 64, 1>}, {transform_indices = @transform_3, window_bounds = array<i64: 4096>}]} {
    %get3A = arith.constant 0 : index
    %get3A_0 = arith.constant 0 : index
    %get3A_1 = vector.load %arg2[%get3A, %get3A_0] : memref<64x768xf32, #tpu.memory_space<vmem>>, vector<64x768xf32>
    %get3A_2 = arith.constant 0 : index
    %get3A_3 = arith.constant 0 : index
    %get3A_4 = vector.load %arg1[%get3A_2, %get3A_3] : memref<4096x768xf32, #tpu.memory_space<vmem>>, vector<4096x768xf32>
    %dot_general3A = arith.constant dense<0.000000e+00> : vector<64x4096xf32>
    %dot_general3A_5 = tpu.matmul %get3A_1, %get3A_4, %dot_general3A {dimension_numbers = #tpu.dot_dimension_numbers<[1], [1], [0], [0], [0, 0, 1, 0], [], []>, transpose_lhs_hint = false} : vector<64x768xf32>, vector<4096x768xf32>, vector<64x4096xf32> -> vector<64x4096xf32>
    %get3A_6 = arith.constant 0 : index
    %get3A_7 = arith.constant 0 : index
    %get3A_8 = vector.load %arg3[%get3A_6, %get3A_7] : memref<64x1xf32, #tpu.memory_space<vmem>>, vector<64x1xf32>
    %add3A = vector.broadcast %get3A_8 : vector<64x1xf32> to vector<64x4096xf32>
    %add3A_9 = arith.addf %dot_general3A_5, %add3A : vector<64x4096xf32>
    %reduce_max3A = arith.constant dense<0xFF800000> : vector<4096xf32>
    %reduce_max3A_10 = vector.multi_reduction <maximumf>, %add3A_9, %reduce_max3A [0] : vector<64x4096xf32> to vector<4096xf32>
    %broadcast_in_dim3A = vector.shape_cast %reduce_max3A_10 : vector<4096xf32> to vector<1x4096xf32>
    %iota3A = tpu.iota {dimensions = array<i32: 0>} : vector<64x4096xi32>
    %eq3A = vector.broadcast %broadcast_in_dim3A : vector<1x4096xf32> to vector<64x4096xf32>
    %eq3A_11 = arith.cmpf oeq, %add3A_9, %eq3A : vector<64x4096xf32>
    %jit3A = arith.constant 64 : i32
    %broadcast_in_dim3A_12 = vector.broadcast %jit3A : i32 to vector<64x4096xi32>
    %select_n3A = arith.select %eq3A_11, %iota3A, %broadcast_in_dim3A_12 : vector<64x4096xi1>, vector<64x4096xi32>
    %reduce_min3A = arith.constant dense<2147483647> : vector<4096xi32>
    %reduce_min3A_13 = vector.multi_reduction <minsi>, %select_n3A, %reduce_min3A [0] : vector<64x4096xi32> to vector<4096xi32>
    %swap3A = arith.constant 0 : index
    %swap3A_14 = vector.load %arg4[%swap3A] : memref<4096xi32, #tpu.memory_space<vmem>>, vector<4096xi32>
    tpu.vector_store %arg4[%swap3A], %reduce_min3A_13 {strides = array<i32>} : memref<4096xi32, #tpu.memory_space<vmem>>, vector<4096xi32>,
    return
  }
  func.func @transform_0(%arg0: i32) -> (i32, i32) {
    %add3A = arith.constant 0 : i32
    %add3A_0 = arith.addi %add3A, %arg0 : i32
    %c0_i32 = arith.constant 0 : i32
    %c0_i32_1 = arith.constant 0 : i32
    return %add3A_0, %c0_i32 : i32, i32
  }
  func.func @transform_1(%arg0: i32) -> (i32, i32) {
    %c0_i32 = arith.constant 0 : i32
    %c0_i32_0 = arith.constant 0 : i32
    %c0_i32_1 = arith.constant 0 : i32
    return %c0_i32, %c0_i32_0 : i32, i32
  }
  func.func @transform_2(%arg0: i32) -> (i32, i32) {
    %c0_i32 = arith.constant 0 : i32
    %c0_i32_0 = arith.constant 0 : i32
    %c0_i32_1 = arith.constant 0 : i32
    return %c0_i32, %c0_i32_0 : i32, i32
  }
  func.func @transform_3(%arg0: i32) -> i32 {
    %c0_i32 = arith.constant 0 : i32
    return %arg0 : i32
  }
}

module attributes {stable_mosaic.version = 14 : i64} {
  func.func @_idx_body(%arg0: i32, %arg1: memref<4096x768xf32, #tpu.memory_space<vmem>>, %arg2: memref<64x768xf32, #tpu.memory_space<vmem>>, %arg3: memref<64x1xf32, #tpu.memory_space<vmem>>, %arg4: memref<4096xi32, #tpu.memory_space<vmem>>) attributes {dimension_semantics = [#tpu.dimension_semantics<arbitrary>], iteration_bounds = array<i64: 2>, scalar_prefetch = 0 : i64, scratch_operands = 0 : i64, tpu.core_type = #tpu.core_type<tc>, window_params = [{transform_indices = @transform_0, window_bounds = array<i64: 4096, 768>}, {pipeline_mode = #tpu.pipeline_mode<synchronous>, transform_indices = @transform_1, window_bounds = array<i64: 64, 768>}, {pipeline_mode = #tpu.pipeline_mode<synchronous>, transform_indices = @transform_2, window_bounds = array<i64: 64, 1>}, {transform_indices = @transform_3, window_bounds = array<i64: 4096>}]} {
    %get3A = arith.constant 0 : index
    %get3A_0 = arith.constant 0 : index
    %get3A_1 = vector.load %arg2[%get3A, %get3A_0] : memref<64x768xf32, #tpu.memory_space<vmem>>, vector<64x768xf32>
    %get3A_2 = arith.constant 0 : index
    %get3A_3 = arith.constant 0 : index
    %get3A_4 = vector.load %arg1[%get3A_2, %get3A_3] : memref<4096x768xf32, #tpu.memory_space<vmem>>, vector<4096x768xf32>
    %dot_general3A = arith.constant dense<0.000000e+00> : vector<64x4096xf32>
    %dot_general3A_5 = tpu.matmul %get3A_1, %get3A_4, %dot_general3A {dimension_numbers = #tpu.dot_dimension_numbers<[1], [1], [0], [0], [0, 0, 1, 0], [], []>, transpose_lhs_hint = false} : vector<64x768xf32>, vector<4096x768xf32>, vector<64x4096xf32> -> vector<64x4096xf32>
    %get3A_6 = arith.constant 0 : index
    %get3A_7 = arith.constant 0 : index
    %get3A_8 = vector.load %arg3[%get3A_6, %get3A_7] : memref<64x1xf32, #tpu.memory_space<vmem>>, vector<64x1xf32>
    %add3A = vector.broadcast %get3A_8 : vector<64x1xf32> to vector<64x4096xf32>
    %add3A_9 = arith.addf %dot_general3A_5, %add3A : vector<64x4096xf32>
    %reduce_max3A = arith.constant dense<0xFF800000> : vector<4096xf32>
    %reduce_max3A_10 = vector.multi_reduction <maximumf>, %add3A_9, %reduce_max3A [0] : vector<64x4096xf32> to vector<4096xf32>
    %broadcast_in_dim3A = vector.shape_cast %reduce_max3A_10 : vector<4096xf32> to vector<1x4096xf32>
    %iota3A = tpu.iota {dimensions = array<i32: 0>} : vector<64x4096xi32>
    %eq3A = vector.broadcast %broadcast_in_dim3A : vector<1x4096xf32> to vector<64x4096xf32>
    %eq3A_11 = arith.cmpf oeq, %add3A_9, %eq3A : vector<64x4096xf32>
    %jit3A = arith.constant 64 : i32
    %broadcast_in_dim3A_12 = vector.broadcast %jit3A : i32 to vector<64x4096xi32>
    %select_n3A = arith.select %eq3A_11, %iota3A, %broadcast_in_dim3A_12 : vector<64x4096xi1>, vector<64x4096xi32>
    %reduce_min3A = arith.constant dense<2147483647> : vector<4096xi32>
    %reduce_min3A_13 = vector.multi_reduction <minsi>, %select_n3A, %reduce_min3A [0] : vector<64x4096xi32> to vector<4096xi32>
    %swap3A = arith.constant 0 : index
    %swap3A_14 = vector.load %arg4[%swap3A] : memref<4096xi32, #tpu.memory_space<vmem>>, vector<4096xi32>
    tpu.vector_store %arg4[%swap3A], %reduce_min3A_13 {strides = array<i32>} : memref<4096xi32, #tpu.memory_space<vmem>>, vector<4096xi32>,
    return
  }
  func.func @transform_0(%arg0: i32) -> (i32, i32) {
    %add3A = arith.constant 4 : i32
    %add3A_0 = arith.addi %add3A, %arg0 : i32
    %c0_i32 = arith.constant 0 : i32
    %c0_i32_1 = arith.constant 0 : i32
    return %add3A_0, %c0_i32 : i32, i32
  }
  func.func @transform_1(%arg0: i32) -> (i32, i32) {
    %c0_i32 = arith.constant 0 : i32
    %c0_i32_0 = arith.constant 0 : i32
    %c0_i32_1 = arith.constant 0 : i32
    return %c0_i32, %c0_i32_0 : i32, i32
  }
  func.func @transform_2(%arg0: i32) -> (i32, i32) {
    %c0_i32 = arith.constant 0 : i32
    %c0_i32_0 = arith.constant 0 : i32
    %c0_i32_1 = arith.constant 0 : i32
    return %c0_i32, %c0_i32_0 : i32, i32
  }
  func.func @transform_3(%arg0: i32) -> i32 {
    %c0_i32 = arith.constant 0 : i32
    return %arg0 : i32
  }
}

module attributes {stable_mosaic.version = 14 : i64} {
  func.func @_idx_body(%arg0: i32, %arg1: memref<4096x768xf32, #tpu.memory_space<vmem>>, %arg2: memref<64x768xf32, #tpu.memory_space<vmem>>, %arg3: memref<64x1xf32, #tpu.memory_space<vmem>>, %arg4: memref<4096xi32, #tpu.memory_space<vmem>>) attributes {dimension_semantics = [#tpu.dimension_semantics<arbitrary>], iteration_bounds = array<i64: 2>, scalar_prefetch = 0 : i64, scratch_operands = 0 : i64, tpu.core_type = #tpu.core_type<tc>, window_params = [{transform_indices = @transform_0, window_bounds = array<i64: 4096, 768>}, {pipeline_mode = #tpu.pipeline_mode<synchronous>, transform_indices = @transform_1, window_bounds = array<i64: 64, 768>}, {pipeline_mode = #tpu.pipeline_mode<synchronous>, transform_indices = @transform_2, window_bounds = array<i64: 64, 1>}, {transform_indices = @transform_3, window_bounds = array<i64: 4096>}]} {
    %get3A = arith.constant 0 : index
    %get3A_0 = arith.constant 0 : index
    %get3A_1 = vector.load %arg2[%get3A, %get3A_0] : memref<64x768xf32, #tpu.memory_space<vmem>>, vector<64x768xf32>
    %get3A_2 = arith.constant 0 : index
    %get3A_3 = arith.constant 0 : index
    %get3A_4 = vector.load %arg1[%get3A_2, %get3A_3] : memref<4096x768xf32, #tpu.memory_space<vmem>>, vector<4096x768xf32>
    %dot_general3A = arith.constant dense<0.000000e+00> : vector<64x4096xf32>
    %dot_general3A_5 = tpu.matmul %get3A_1, %get3A_4, %dot_general3A {dimension_numbers = #tpu.dot_dimension_numbers<[1], [1], [0], [0], [0, 0, 1, 0], [], []>, transpose_lhs_hint = false} : vector<64x768xf32>, vector<4096x768xf32>, vector<64x4096xf32> -> vector<64x4096xf32>
    %get3A_6 = arith.constant 0 : index
    %get3A_7 = arith.constant 0 : index
    %get3A_8 = vector.load %arg3[%get3A_6, %get3A_7] : memref<64x1xf32, #tpu.memory_space<vmem>>, vector<64x1xf32>
    %add3A = vector.broadcast %get3A_8 : vector<64x1xf32> to vector<64x4096xf32>
    %add3A_9 = arith.addf %dot_general3A_5, %add3A : vector<64x4096xf32>
    %reduce_max3A = arith.constant dense<0xFF800000> : vector<4096xf32>
    %reduce_max3A_10 = vector.multi_reduction <maximumf>, %add3A_9, %reduce_max3A [0] : vector<64x4096xf32> to vector<4096xf32>
    %broadcast_in_dim3A = vector.shape_cast %reduce_max3A_10 : vector<4096xf32> to vector<1x4096xf32>
    %iota3A = tpu.iota {dimensions = array<i32: 0>} : vector<64x4096xi32>
    %eq3A = vector.broadcast %broadcast_in_dim3A : vector<1x4096xf32> to vector<64x4096xf32>
    %eq3A_11 = arith.cmpf oeq, %add3A_9, %eq3A : vector<64x4096xf32>
    %jit3A = arith.constant 64 : i32
    %broadcast_in_dim3A_12 = vector.broadcast %jit3A : i32 to vector<64x4096xi32>
    %select_n3A = arith.select %eq3A_11, %iota3A, %broadcast_in_dim3A_12 : vector<64x4096xi1>, vector<64x4096xi32>
    %reduce_min3A = arith.constant dense<2147483647> : vector<4096xi32>
    %reduce_min3A_13 = vector.multi_reduction <minsi>, %select_n3A, %reduce_min3A [0] : vector<64x4096xi32> to vector<4096xi32>
    %swap3A = arith.constant 0 : index
    %swap3A_14 = vector.load %arg4[%swap3A] : memref<4096xi32, #tpu.memory_space<vmem>>, vector<4096xi32>
    tpu.vector_store %arg4[%swap3A], %reduce_min3A_13 {strides = array<i32>} : memref<4096xi32, #tpu.memory_space<vmem>>, vector<4096xi32>,
    return
  }
  func.func @transform_0(%arg0: i32) -> (i32, i32) {
    %add3A = arith.constant 2 : i32
    %add3A_0 = arith.addi %add3A, %arg0 : i32
    %c0_i32 = arith.constant 0 : i32
    %c0_i32_1 = arith.constant 0 : i32
    return %add3A_0, %c0_i32 : i32, i32
  }
  func.func @transform_1(%arg0: i32) -> (i32, i32) {
    %c0_i32 = arith.constant 0 : i32
    %c0_i32_0 = arith.constant 0 : i32
    %c0_i32_1 = arith.constant 0 : i32
    return %c0_i32, %c0_i32_0 : i32, i32
  }
  func.func @transform_2(%arg0: i32) -> (i32, i32) {
    %c0_i32 = arith.constant 0 : i32
    %c0_i32_0 = arith.constant 0 : i32
    %c0_i32_1 = arith.constant 0 : i32
    return %c0_i32, %c0_i32_0 : i32, i32
  }
  func.func @transform_3(%arg0: i32) -> i32 {
    %c0_i32 = arith.constant 0 : i32
    return %arg0 : i32
  }
}

module attributes {stable_mosaic.version = 14 : i64} {
  func.func @_idx_body(%arg0: i32, %arg1: memref<4096x768xf32, #tpu.memory_space<vmem>>, %arg2: memref<64x768xf32, #tpu.memory_space<vmem>>, %arg3: memref<64x1xf32, #tpu.memory_space<vmem>>, %arg4: memref<4096xi32, #tpu.memory_space<vmem>>) attributes {dimension_semantics = [#tpu.dimension_semantics<arbitrary>], iteration_bounds = array<i64: 2>, scalar_prefetch = 0 : i64, scratch_operands = 0 : i64, tpu.core_type = #tpu.core_type<tc>, window_params = [{transform_indices = @transform_0, window_bounds = array<i64: 4096, 768>}, {pipeline_mode = #tpu.pipeline_mode<synchronous>, transform_indices = @transform_1, window_bounds = array<i64: 64, 768>}, {pipeline_mode = #tpu.pipeline_mode<synchronous>, transform_indices = @transform_2, window_bounds = array<i64: 64, 1>}, {transform_indices = @transform_3, window_bounds = array<i64: 4096>}]} {
    %get3A = arith.constant 0 : index
    %get3A_0 = arith.constant 0 : index
    %get3A_1 = vector.load %arg2[%get3A, %get3A_0] : memref<64x768xf32, #tpu.memory_space<vmem>>, vector<64x768xf32>
    %get3A_2 = arith.constant 0 : index
    %get3A_3 = arith.constant 0 : index
    %get3A_4 = vector.load %arg1[%get3A_2, %get3A_3] : memref<4096x768xf32, #tpu.memory_space<vmem>>, vector<4096x768xf32>
    %dot_general3A = arith.constant dense<0.000000e+00> : vector<64x4096xf32>
    %dot_general3A_5 = tpu.matmul %get3A_1, %get3A_4, %dot_general3A {dimension_numbers = #tpu.dot_dimension_numbers<[1], [1], [0], [0], [0, 0, 1, 0], [], []>, transpose_lhs_hint = false} : vector<64x768xf32>, vector<4096x768xf32>, vector<64x4096xf32> -> vector<64x4096xf32>
    %get3A_6 = arith.constant 0 : index
    %get3A_7 = arith.constant 0 : index
    %get3A_8 = vector.load %arg3[%get3A_6, %get3A_7] : memref<64x1xf32, #tpu.memory_space<vmem>>, vector<64x1xf32>
    %add3A = vector.broadcast %get3A_8 : vector<64x1xf32> to vector<64x4096xf32>
    %add3A_9 = arith.addf %dot_general3A_5, %add3A : vector<64x4096xf32>
    %reduce_max3A = arith.constant dense<0xFF800000> : vector<4096xf32>
    %reduce_max3A_10 = vector.multi_reduction <maximumf>, %add3A_9, %reduce_max3A [0] : vector<64x4096xf32> to vector<4096xf32>
    %broadcast_in_dim3A = vector.shape_cast %reduce_max3A_10 : vector<4096xf32> to vector<1x4096xf32>
    %iota3A = tpu.iota {dimensions = array<i32: 0>} : vector<64x4096xi32>
    %eq3A = vector.broadcast %broadcast_in_dim3A : vector<1x4096xf32> to vector<64x4096xf32>
    %eq3A_11 = arith.cmpf oeq, %add3A_9, %eq3A : vector<64x4096xf32>
    %jit3A = arith.constant 64 : i32
    %broadcast_in_dim3A_12 = vector.broadcast %jit3A : i32 to vector<64x4096xi32>
    %select_n3A = arith.select %eq3A_11, %iota3A, %broadcast_in_dim3A_12 : vector<64x4096xi1>, vector<64x4096xi32>
    %reduce_min3A = arith.constant dense<2147483647> : vector<4096xi32>
    %reduce_min3A_13 = vector.multi_reduction <minsi>, %select_n3A, %reduce_min3A [0] : vector<64x4096xi32> to vector<4096xi32>
    %swap3A = arith.constant 0 : index
    %swap3A_14 = vector.load %arg4[%swap3A] : memref<4096xi32, #tpu.memory_space<vmem>>, vector<4096xi32>
    tpu.vector_store %arg4[%swap3A], %reduce_min3A_13 {strides = array<i32>} : memref<4096xi32, #tpu.memory_space<vmem>>, vector<4096xi32>,
    return
  }
  func.func @transform_0(%arg0: i32) -> (i32, i32) {
    %add3A = arith.constant 6 : i32
    %add3A_0 = arith.addi %add3A, %arg0 : i32
    %c0_i32 = arith.constant 0 : i32
    %c0_i32_1 = arith.constant 0 : i32
    return %add3A_0, %c0_i32 : i32, i32
  }
  func.func @transform_1(%arg0: i32) -> (i32, i32) {
    %c0_i32 = arith.constant 0 : i32
    %c0_i32_0 = arith.constant 0 : i32
    %c0_i32_1 = arith.constant 0 : i32
    return %c0_i32, %c0_i32_0 : i32, i32
  }
  func.func @transform_2(%arg0: i32) -> (i32, i32) {
    %c0_i32 = arith.constant 0 : i32
    %c0_i32_0 = arith.constant 0 : i32
    %c0_i32_1 = arith.constant 0 : i32
    return %c0_i32, %c0_i32_0 : i32, i32
  }
  func.func @transform_3(%arg0: i32) -> i32 {
    %c0_i32 = arith.constant 0 : i32
    return %arg0 : i32
  }
}

</mosaic_0001>

<sc_bundles>
// kernel: kernel.10.cloned.1.call-start
scs
__scs_entry_jumppad:
0x0: {  	(pc) =	sbr.rel $0x88, $3  }
0x1: {  	(tag) =	ssettag $0x0;
	lr =	simm.s32 $0x1  }
0x2: {  	[smem:$0x3F9E] =	sst lr;
	_ =	strace $0xD0000000  }
0x3: {  	_ = 	snop  }
0x4: {  	_ = 	snop  }
0x5: {  	_ = 	snop  }
0x6: {  	_ = 	snop  }
0x7: {  	_ = 	snop  }
__scs_overlays_trampoline_lowered:
0x8: {  	[smem:$0x3FAD] =	sst s0  }
0x9: {  	[smem:$0x3FAE] =	sst s1  }
0xa: {  	[smem:$0x3FAF] =	sst s2  }
0xb: {  	[smem:$0x3FB0] =	sst s3  }
0xc: {  	[smem:$0x3FB1] =	sst s4  }
0xd: {  	[smem:$0x3FB2] =	sst s5  }
0xe: {  	[smem:$0x3FB3] =	sst s6  }
0xf: {  	[smem:$0x3FB4] =	sst s7  }
0x10: {  	[smem:$0x3FB5] =	sst s8  }
0x11: {  	[smem:$0x3FB6] =	sst s9;
	s0 =	simm.s32 @!p0 $0x0  }
0x12: {  	s1 =	sld [smem:$0x3F9C];
	s0 =	simm.s32 @p0 $0x1  }
0x13: {  	[smem:$0x3FB7] =	sst s0;
	s0 =	simm.s32 @!p1 $0x0  }
0x14: {  	s2 =	sld [smem:$0x3F9B];
	s0 =	simm.s32 @p1 $0x1  }
0x15: {  	[smem:$0x3FB8] =	sst s0;
	s0 =	simm.s32 @!p2 $0x0  }
0x16: {  	s3 =	sld [smem:$0x3FDB];
	s0 =	simm.s32 @p2 $0x1  }
0x17: {  	s4 =	simm.s32 $0x1BF5;
	[smem:$0x3FBA] =	sst s0  }
0x18: {  	s0 =	sld [smem:$0x3F9D];
	_ =	swait.ge [sflag:s4], $0x0  }
0x19: {  	s7 =	sld [smem:$0x3F9E]  }
0x1a: {  	s8 =	sadd.s32 $0xFFFFE003, lr  }
0x1b: {  	s9 =	sadd.s32 $0xFFFFFEF7, lr;
	s5 =	simm.s32 $0xFFFFFFFF;
	p2 =	slt.u32 s8, $0xFFFFF086  }
0x1c: {  	p1 =	slt.u32 s9, $0xF7A;
	s5 =	simm.s32 @!p2 $0x0  }
0x1d: {  	s5 =	simm.s32 @p1 $0x1;
	p0 =	seq.s32 s7, s2  }
0x1e: {  	s7 =	smul.u32 @!p0 $0xF7A, s2;
	p2 =	seq.s32 @!p0 s5, $0x0  }
0x1f: {  	s9 =	smul.u32 $0xF7A, s1;
	s8 =	simm.s32 @!p0 $0x1BF5;
	p2 =	por !p2, p0  }
0x20: {  	[sflag:s8] =	ssyncset.s32 @!p0 $0xFFFFF086;
	s6 =	sadd.s32 @!p0 s3, s7;
	s7 =	simm.s32 @!p0 $0x108  }
0x21: {  	s3 =	sadd.s32 s3, s9;
	s6 =	sadd.s32 @!p0 $0x88, s6;
	s7 =	simm.s32 @p2 $0x1082  }
0x22: {  	[simem:s7], [sflag:s8] =	dma.local @!p0 [hbm:s6], $0xF7A  }
0x23: {  	s9 =	sor.u32 $0xD0000000, s2;
	s6 =	simm.s32 $0x108;
	_ =	swait.ge @!p0 [sflag:s8], $0x0  }
0x24: {  	s3 =	sadd.s32 $0x88, s3;
	s6 =	simm.s32 @!p1 $0x1082;
	[sflag:s4] =	ssyncset.s32 $0xFFFFF086  }
0x25: {  	[simem:s6], [sflag:s4] =	dma.local [hbm:s3], $0xF7A  }
0x26: {  	[smem:$0x3F9E] =	sst s1;
	(tag) =	ssettag s2;
	_ =	strace s9  }
0x27: {  	s1 =	sld [smem:$0x3FAE]  }
0x28: {  	s2 =	sld [smem:$0x3FAF]  }
0x29: {  	s4 =	sld [smem:$0x3FB1]  }
0x2a: {  	p0 =	seq.s32 s5, $0x0;
	s5 =	sld [smem:$0x3FB2]  }
0x2b: {  	s6 =	sld [smem:$0x3FB3]  }
0x2c: {  	s7 =	sld [smem:$0x3FB4]  }
0x2d: {  	s3 =	simm.s32 $0x108;
	s8 =	sld [smem:$0x3FB5]  }
0x2e: {  	s3 =	simm.s32 @!p0 $0x1082;
	s9 =	sld [smem:$0x3FB6]  }
0x2f: {  	lr =	sadd.s32 s0, s3;
	s0 =	sld [smem:$0x3FAD]  }
0x30: {  	s3 =	sld [smem:$0x3FB0]  }
0x31: {  	[smem:$0x3FB9] =	sst s10  }
0x32: {  	s10 =	sld [smem:$0x3FB7];
	_ =	sdelay $0x3  }
0x33: {  	p0 =	seq.s32 s10, $0x1;
	s10 =	sld [smem:$0x3FB9];
	_ =	sdelay $0x3  }
0x34: {  	[smem:$0x3FB9] =	sst s10  }
0x35: {  	s10 =	sld [smem:$0x3FB8];
	_ =	sdelay $0x3  }
0x36: {  	p1 =	seq.s32 s10, $0x1;
	s10 =	sld [smem:$0x3FB9];
	_ =	sdelay $0x3  }
0x37: {  	[smem:$0x3FB9] =	sst s10  }
0x38: {  	s10 =	sld [smem:$0x3FBA]  }
0x39: {  	_ = 	snop;
	(pc) =	sbr.ind lr, $3  }
0x3a: {  	_ = 	snop  }
0x3b: {  	_ = 	snop  }
0x3c: {  	p2 =	seq.s32 s10, $0x1;
	s10 =	sld [smem:$0x3FB9]  }
0x3d: {  	_ =	shalt  }
0x3e: {  	_ =	shalt  }
0x3f: {  	_ =	shalt  }
0x40: {  	_ =	shalt  }
0x41: {  	_ =	shalt  }
0x42: {  	_ =	shalt  }
0x43: {  	_ =	shalt  }
0x44: {  	_ =	shalt  }
0x45: {  	_ =	shalt  }
0x46: {  	_ =	shalt  }
0x47: {  	_ =	shalt  }
0x48: {  	_ =	shalt  }
0x49: {  	_ =	shalt  }
0x4a: {  	_ =	shalt  }
0x4b: {  	_ =	shalt  }
0x4c: {  	_ =	shalt  }
0x4d: {  	_ =	shalt  }
0x4e: {  	_ =	shalt  }
0x4f: {  	_ =	shalt  }
0x50: {  	_ =	shalt  }
0x51: {  	_ =	shalt  }
0x52: {  	_ =	shalt  }
0x53: {  	_ =	shalt  }
0x54: {  	_ =	shalt  }
0x55: {  	_ =	shalt  }
0x56: {  	_ =	shalt  }
0x57: {  	_ =	shalt  }
0x58: {  	_ =	shalt  }
0x59: {  	_ =	shalt  }
0x5a: {  	_ =	shalt  }
0x5b: {  	_ =	shalt  }
0x5c: {  	_ =	shalt  }
0x5d: {  	_ =	shalt  }
0x5e: {  	_ =	shalt  }
0x5f: {  	_ =	shalt  }
0x60: {  	_ =	shalt  }
0x61: {  	_ =	shalt  }
0x62: {  	_ =	shalt  }
0x63: {  	_ =	shalt  }
0x64: {  	_ =	shalt  }
0x65: {  	_ =	shalt  }
0x66: {  	_ =	shalt  }
0x67: {  	_ =	shalt  }
0x68: {  	_ =	shalt  }
0x69: {  	_ =	shalt  }
0x6a: {  	_ =	shalt  }
0x6b: {  	_ =	shalt  }
0x6c: {  	_ =	shalt  }
0x6d: {  	_ =	shalt  }
0x6e: {  	_ =	shalt  }
0x6f: {  	_ =	shalt  }
0x70: {  	_ =	shalt  }
0x71: {  	_ =	shalt  }
0x72: {  	_ =	shalt  }
0x73: {  	_ =	shalt  }
0x74: {  	_ =	shalt  }
0x75: {  	_ =	shalt  }
0x76: {  	_ =	shalt  }
0x77: {  	_ =	shalt  }
0x78: {  	_ =	shalt  }
0x79: {  	_ =	shalt  }
0x7a: {  	_ =	shalt  }
0x7b: {  	_ =	shalt  }
0x7c: {  	_ =	shalt  }
0x7d: {  	_ =	shalt  }
0x7e: {  	_ =	shalt  }
0x7f: {  	_ =	shalt  }
0x80: {  	_ =	shalt  }
0x81: {  	_ =	shalt  }
0x82: {  	_ =	shalt  }
0x83: {  	_ =	shalt  }
0x84: {  	_ =	shalt  }
0x85: {  	_ =	shalt  }
0x86: {  	_ =	shalt  }
0x87: {  	_ =	shalt  }
.Lfunc_end0:
.L_simem_size_0:
called_computation_lowered:
.L_overlay_start_0:
0x88: {  	s2 =	sld [smem:$0x3FD9]  }
0x89: {  	s3 =	sld [smem:$0x3FFE];
	_ =	sdelay $0x1  }
0x8a: {  	s1 =	srdreg.scid  }
0x8b: {  	s0 =	sand.u32 $0x1, s1  }
0x8c: {  	s16 =	sshll.u32 s0, $0xA;
	s2 =	sadd.s32 s3, s2  }
0x8d: {  	s2 =	sadd.s32 s2, s16  }
0x8e: {  	[smem:$0x3FC5] =	sst s2  }
0x8f: {  	_ = 	snop  }
0x90: {  	(tm) =	ssettm $0x1  }
0x91: {  	s17 =	sld [smem:$0x3FFB];
	_ =	sdelay $0x3  }
0x92: {  	_ =	strace s17  }
0x93: {  	s2 =	sld [smem:$0x3FFC];
	_ =	sdelay $0x3  }
0x94: {  	_ =	strace s2  }
0x95: {  	s2 =	sld [smem:$0x3FFD];
	_ =	sdelay $0x3  }
0x96: {  	_ =	strace s2  }
0x97: {  	_ =	strace $0x8FFFFFFF  }
0x98: {  	s18 =	sld [smem:$0x3FDB];
	_ =	sdelay $0x1  }
0x99: {  	s19 =	simm.s32 $_scs_section_size  }
0x9a: {  	s4 =	simm.s32 $_size__tile_overlayer_lowered;
	s5 =	simm.s32 $_tile_overlayer_lowered  }
0x9b: {  	s22 =	simm.s32 $0x1BFF;
	s21 =	sshll.u32 s5, $0x1;
	s2 =	sadd.s32 s19, s18  }
0x9c: {  	s6 =	simm.s32 $0x0;
	s20 =	sshll.u32 s4, $0x1;
	s4 =	sadd.s32 s21, s2  }
0x9d: {  	[timem:s6], [sflag:s22] =	dma.local [hbm:s4], s20  }
0x9e: {  	_ =	swait.ge [sflag:s22], s20  }
0x9f: {  	s3 =	ssub.s32 $0x0, s20;
	[sflag:s22] =	ssyncset.done $0x0  }
0xa0: {  	[sflag:s22] =	ssyncadd.s32 s3;
	_ =	sdelay $0x1  }
0xa1: {  	s23 =	simm.s32 $0x1B8B  }
0xa2: {  	_ =	swait.ge [sflag:s23], $0x1  }
0xa3: {  	[sflag:s23] =	ssyncset.done $0x0  }
0xa4: {  	s25 =	simm.s32 $0x1B8E;
	s24 =	sld [smem:$0x3FFE];
	[sflag:s23] =	ssyncadd.s32 $0xFFFFFFFF  }
0xa5: {  	s26 =	simm.s32 $execute0_lowered;
	[smem:$0x3FD2] =	sst s25  }
0xa6: {  	s4 =	sshll.u32 s26, $0x1;
	_ =	strace $0x80000046;
	[dreg:$0x1] =	wrdreg $0xFFFFFFFF  }
0xa7: {  	s28 =	simm.s32 $_size_execute0_lowered;
	s2 =	sadd.s32 s2, s4;
	[dreg:$0x0] =	wrdreg $0x0  }
0xa8: {  	s4 =	sshll.u32 s28, $0x1;
	[dreg:$0x2] =	wrdreg s2  }
0xa9: {  	[dreg:$0x3] =	wrdreg s4  }
0xaa: {  	[dreg:$0x4] =	wrdreg $0xC0  }
0xab: {  	_ =	task [dreg:s6], $0x5FFFF  }
0xac: {  	[dreg:$0x1] =	wrdreg $0xFFFFFFFF  }
0xad: {  	[dreg:$0x0] =	wrdreg $0x60  }
0xae: {  	[dreg:$0x2] =	wrdreg s24  }
0xaf: {  	[dreg:$0x3] =	wrdreg $0x9  }
0xb0: {  	_ =	task.clear_ibuf [dreg:s6], $0x4FFFF;
	_ =	strace $0x90000046  }
0xb1: {  	s29 =	simm.s32 $0x9;
	_ =	strace $0x80000048  }
0xb2: {  	_ =	swait.ge [sflag:s29], $0x1  }
0xb3: {  	[sflag:s29] =	ssyncadd.s32 $0xFFFFFFFF  }
0xb4: {  	_ =	strace $0x90000048  }
0xb5: {  	_ =	sfence  }
0xb6: {  	s30 =	sld [smem:$0x0];
	_ =	sdelay $0x2  }
0xb7: {  	s31 =	sshll.u32 s1, $0xD;
	s1 =	sshrl.u32 s1, $0x2  }
0xb8: {  	s3 =	sand.u32 $0x4000, s31;
	s1 =	sadd.s32 s1, s30  }
0xb9: {  	s0 =	sor.u32 s3, s0;
	s1 =	sshll.u32 s1, $0x11  }
0xba: {  	s0 =	sor.u32 s1, s0  }
0xbb: {  	s0 =	sadd.s32 $0x8F2B, s0  }
0xbc: {  	[sflag:s0] =	ssyncadd.remote.s32 $0x1  }
0xbd: {  	_ =	sfence.sel $0xFFFF  }
0xbe: {  	[dreg:$0x0] =	wrdreg $0xFFFFFFFF;
	(pc) =	sbr.abs _section_cstart, $3  }
0xbf: {  	[dreg:$0x1] =	wrdreg $0xFFFFFFFF  }
0xc0: {  	_ =	task.clear_ibuf [dreg:s6], $0x2FFFF;
	_ =	strace $0x9FFFFFFF  }
0xc1: {  	(tm) =	ssettm $0x7FFFFFFF  }
tec
execute0_lowered:
.L_overlay_start_1:
0x0: {  	(tag) =	ssettag $0x1  }
0x1: {  	s3 =	rddreg [dreg:$0x0]  }
0x2: {  	s0 =	rddreg [dreg:$0x1]  }
0x3: {  	s2 =	simm.s32 $0x0;
	s4 =	srdreg.scid;
	s1 =	stileid.u32  }
0x4: {  	[smem:$0x7FF] =	sst s2;
	s4 =	sand.u32 $0x1, s4;
	s5 =	sshll.u32 s1, $0x1  }
0x5: {  	s8 =	simm.s32 $0x0;
	_ =	strace $0x80000047;
	s5 =	sor.u32 s4, s5  }
0x6: {  	s4 =	ssub.s32 $0x2, s4;
	s6 =	sshll.u32 s5, $0x5;
	s5 =	sshll.u32 s5, $0xB  }
0x7: {  	s7 =	sshrl.u32 s4, $0x1;
	s6 =	sadd.s32 s6, s3;
	s5 =	sadd.s32 s5, s3  }
0x8: {  	v1 =	vlaneseq.u32;
	s7 =	ssub.s32 s4, s7;
	s3 =	sadd.s32 $0x1A00, s6;
	s4 =	sadd.s32 $0x1E00, s5  }
0x9: {  	v0 =	vimm.f32 $0.0e+00;
	v2 =	vimm.f32 $1.000000000e+00;
	v1 =	vmul.u32 $0x40, v1;
	s5 =	smax.u32 s7, $0x1;
	s6 =	simm.s32 $0x1;
	s7 =	simm.s32 $0x100  }
.LBB2_1:
0xa: {  	[tilespmem:s2], [sflag:$0x1] =	stream.linear.gather [hbm4b:s3+s2], $0x100, $0x38;
	[tilespmem:$0x4100] =	vst v63  }
0xb: {  	_ =	swait.ge [sflag:s6], $0x100  }
0xc: {  	[sflag:s6] =	ssyncset.done $0x0  }
0xd: {  	s12 =	simm.s32 $0x140;
	[sflag:s6] =	ssyncadd.s32 $0xFFFFFF00  }
0xe: {  	[tilespmem:s12+$0xFFFFFFC0] =	vst v0  }
0xf: {  	[tilespmem:s12+$0x30] =	vst v0  }
0x10: {  	[tilespmem:s12+$0x20] =	vst v0  }
0x11: {  	[tilespmem:s12+$0x10] =	vst v0  }
0x12: {  	[tilespmem:s12+$0x0] =	vst v0  }
0x13: {  	[tilespmem:s12+$0xFFFFFFF0] =	vst v0  }
0x14: {  	s13 =	simm.s32 $0x0;
	s9 =	simm.s32 $0x20;
	[tilespmem:s12+$0xFFFFFFE0] =	vst v0  }
.LBB2_2:
0x15: {  	s13 =	sadd.s32 $0x8, s13;
	[tilespmem:s12+$0xFFFFFFD0] =	vst v0;
	s12 =	sadd.s32 $0x80, s12;
	s10 =	simm.s32 $0xFFFFFFFC  }
0x16: {  	[tilespmem:s12+$0xFFFFFFC0] =	vst v0;
	p0 =	slt.u32 s13, $0x3F8  }
0x17: {  	[tilespmem:s12+$0x30] =	vst v0  }
.Ltmp0:
0x18: {  	[tilespmem:s12+$0x20] =	vst v0;
	(pc) =	sbr.rel @p0 .LBB2_2-.Ltmp0, $4  }
0x19: {  	[tilespmem:s12+$0x10] =	vst v0  }
0x1a: {  	[tilespmem:s12+$0x0] =	vst v0  }
0x1b: {  	[tilespmem:s12+$0xFFFFFFF0] =	vst v0  }
0x1c: {  	s11 =	simm.s32 $0x0;
	[tilespmem:s12+$0xFFFFFFE0] =	vst v0  }
0x1d: {  	[tilespmem:s12+$0xFFFFFFD0] =	vst v0  }
.LBB2_4:
0x1e: {  	v3 =	vld [tilespmem:s9+$0xFFFFFFE0];
	_ =	sdelay $0x1  }
0x1f: {  	v4 =	vmov s11  }
0x20: {  	v4 =	vshll.u32 v4, $0x6  }
0x21: {  	v4 =	vor.u32 v1, v4  }
0x22: {  	v3 =	vadd.s32 v4, v3;
	_ =	sdelay $0x4  }
0x23: {  	[tilespmem:v3+s7+$0x0] =	vst.idx.msk $0xffff, v2  }
0x24: {  	v3 =	vld [tilespmem:s9+$0xFFFFFFF0]  }
0x25: {  	s12 =	sadd.s32 $0x10, s11  }
0x26: {  	v61 =	vmov s12  }
0x27: {  	v4 =	vshll.u32 v61, $0x6  }
0x28: {  	v4 =	vor.u32 v1, v4  }
0x29: {  	v3 =	vadd.s32 v4, v3;
	_ =	sdelay $0x4  }
0x2a: {  	[tilespmem:v3+s7+$0x0] =	vst.idx.msk $0xffff, v2  }
0x2b: {  	v3 =	vld [tilespmem:s9+$0x0]  }
0x2c: {  	s30 =	sadd.s32 $0x20, s11  }
0x2d: {  	v62 =	vmov s30  }
0x2e: {  	v4 =	vshll.u32 v62, $0x6  }
0x2f: {  	v4 =	vor.u32 v1, v4  }
0x30: {  	v3 =	vadd.s32 v4, v3;
	_ =	sdelay $0x4  }
0x31: {  	[tilespmem:v3+s7+$0x0] =	vst.idx.msk $0xffff, v2  }
0x32: {  	v3 =	vld [tilespmem:s9+$0x10]  }
0x33: {  	s31 =	sadd.s32 $0x30, s11  }
0x34: {  	v63 =	vmov s31  }
0x35: {  	v4 =	vshll.u32 v63, $0x6  }
0x36: {  	s10 =	sadd.s32 $0x4, s10;
	v4 =	vor.u32 v1, v4  }
0x37: {  	p0 =	slt.u32 s10, $0xC;
	v3 =	vadd.s32 v4, v3  }
.Ltmp1:
0x38: {  	_ = 	snop;
	(pc) =	sbr.rel @p0 .LBB2_4-.Ltmp1, $2  }
0x39: {  	_ =	sdelay $0x2  }
0x3a: {  	s11 =	sadd.s32 $0x40, s11;
	s9 =	sadd.s32 $0x40, s9;
	[tilespmem:v3+s7+$0x0] =	vst.idx.msk $0xffff, v2  }
0x3b: {  	s8 =	sadd.s32 $0x1, s8  }
0x3c: {  	p0 =	sne.s32 s8, s5  }
.Ltmp2:
0x3d: {  	_ = 	snop;
	(pc) =	sbr.rel @p0 .LBB2_1-.Ltmp2, $4  }
0x3e: {  	[hbm4b:s4+s2] =	stream.linear.scatter [tilespmem:s7], [sflag:$0x1], $0x4000, $0x38;
	[tilespmem:$0x4100] =	vst v63  }
0x3f: {  	_ =	swait.ge [sflag:s6], $0x4000  }
0x40: {  	[sflag:s6] =	ssyncset.done $0x0  }
0x41: {  	[sflag:s6] =	ssyncadd.s32 $0xFFFFC000  }
0x42: {  	_ =	sfence.sel $0x180000  }
0x43: {  	[bflag:$0x0] =	sbarrier.arrive $0xFFFF  }
0x44: {  	p0 =	sne.s32 s1, $0x0;
	_ =	strace $0x90000047  }
0x45: {  	s0 =	sadd.s32 @!p0 $0x100000, s0;
	[bflag:$0x2] =	sbarrier.arrive $0xFFFF  }
0x46: {  	[sflag:s0] =	ssyncadd.tile.s32 @!p0 $0x1;
	_ =	shalt  }
.Lfunc_end2:
_tile_overlayer_lowered:
.L_overlay_start_2:
0x47: {  	(tag) =	ssettag $0x2  }
0x48: {  	s0 =	rddreg [dreg:$0x0];
	s2 =	stileid.u32  }
0x49: {  	s1 =	rddreg [dreg:$0x1];
	p0 =	sne.s32 s2, $0x0  }
0x4a: {  	s3 =	rddreg [dreg:$0x2];
	[bflag:$0x3] =	sbarrier.arrive $0xFFFF;
	s2 =	simm.s32 @!p0 $0x1C01  }
0x4b: {  	[timem:s3], [sflag:s2] =	dma.local @!p0 [hbm:s0], s1  }
0x4c: {  	s0 =	simm.s32 @!p0 $0x1  }
0x4d: {  	_ =	swait.ge @!p0 [sflag:s0], s1  }
0x4e: {  	s1 =	ssub.s32 @!p0 $0x0, s1;
	[sflag:s0] =	ssyncset.done @!p0 $0x0  }
0x4f: {  	[sflag:s0] =	ssyncadd.s32 @!p0 s1  }
0x50: {  	[bflag:$0x3] =	sbarrier.arrive $0xFFFF  }
0x51: {  	_ =	shalt  }

// kernel: kernel.13.cloned.1.call-start
scs
__scs_entry_jumppad:
0x0: {  	(pc) =	sbr.rel $0x88, $3  }
0x1: {  	(tag) =	ssettag $0x0;
	lr =	simm.s32 $0x1  }
0x2: {  	[smem:$0x3F9E] =	sst lr;
	_ =	strace $0xD0000000  }
0x3: {  	_ = 	snop  }
0x4: {  	_ = 	snop  }
0x5: {  	_ = 	snop  }
0x6: {  	_ = 	snop  }
0x7: {  	_ = 	snop  }
__scs_overlays_trampoline_lowered:
0x8: {  	[smem:$0x3FAD] =	sst s0  }
0x9: {  	[smem:$0x3FAE] =	sst s1  }
0xa: {  	[smem:$0x3FAF] =	sst s2  }
0xb: {  	[smem:$0x3FB0] =	sst s3  }
0xc: {  	[smem:$0x3FB1] =	sst s4  }
0xd: {  	[smem:$0x3FB2] =	sst s5  }
0xe: {  	[smem:$0x3FB3] =	sst s6  }
0xf: {  	[smem:$0x3FB4] =	sst s7  }
0x10: {  	[smem:$0x3FB5] =	sst s8  }
0x11: {  	[smem:$0x3FB6] =	sst s9;
	s0 =	simm.s32 @!p0 $0x0  }
0x12: {  	s1 =	sld [smem:$0x3F9C];
	s0 =	simm.s32 @p0 $0x1  }
0x13: {  	[smem:$0x3FB7] =	sst s0;
	s0 =	simm.s32 @!p1 $0x0  }
0x14: {  	s2 =	sld [smem:$0x3F9B];
	s0 =	simm.s32 @p1 $0x1  }
0x15: {  	[smem:$0x3FB8] =	sst s0;
	s0 =	simm.s32 @!p2 $0x0  }
0x16: {  	s3 =	sld [smem:$0x3FDB];
	s0 =	simm.s32 @p2 $0x1  }
0x17: {  	s4 =	simm.s32 $0x1BF5;
	[smem:$0x3FBA] =	sst s0  }
0x18: {  	s0 =	sld [smem:$0x3F9D];
	_ =	swait.ge [sflag:s4], $0x0  }
0x19: {  	s7 =	sld [smem:$0x3F9E]  }
0x1a: {  	s8 =	sadd.s32 $0xFFFFE003, lr  }
0x1b: {  	s9 =	sadd.s32 $0xFFFFFEF7, lr;
	s5 =	simm.s32 $0xFFFFFFFF;
	p2 =	slt.u32 s8, $0xFFFFF086  }
0x1c: {  	p1 =	slt.u32 s9, $0xF7A;
	s5 =	simm.s32 @!p2 $0x0  }
0x1d: {  	s5 =	simm.s32 @p1 $0x1;
	p0 =	seq.s32 s7, s2  }
0x1e: {  	s7 =	smul.u32 @!p0 $0xF7A, s2;
	p2 =	seq.s32 @!p0 s5, $0x0  }
0x1f: {  	s9 =	smul.u32 $0xF7A, s1;
	s8 =	simm.s32 @!p0 $0x1BF5;
	p2 =	por !p2, p0  }
0x20: {  	[sflag:s8] =	ssyncset.s32 @!p0 $0xFFFFF086;
	s6 =	sadd.s32 @!p0 s3, s7;
	s7 =	simm.s32 @!p0 $0x108  }
0x21: {  	s3 =	sadd.s32 s3, s9;
	s6 =	sadd.s32 @!p0 $0x88, s6;
	s7 =	simm.s32 @p2 $0x1082  }
0x22: {  	[simem:s7], [sflag:s8] =	dma.local @!p0 [hbm:s6], $0xF7A  }
0x23: {  	s9 =	sor.u32 $0xD0000000, s2;
	s6 =	simm.s32 $0x108;
	_ =	swait.ge @!p0 [sflag:s8], $0x0  }
0x24: {  	s3 =	sadd.s32 $0x88, s3;
	s6 =	simm.s32 @!p1 $0x1082;
	[sflag:s4] =	ssyncset.s32 $0xFFFFF086  }
0x25: {  	[simem:s6], [sflag:s4] =	dma.local [hbm:s3], $0xF7A  }
0x26: {  	[smem:$0x3F9E] =	sst s1;
	(tag) =	ssettag s2;
	_ =	strace s9  }
0x27: {  	s1 =	sld [smem:$0x3FAE]  }
0x28: {  	s2 =	sld [smem:$0x3FAF]  }
0x29: {  	s4 =	sld [smem:$0x3FB1]  }
0x2a: {  	p0 =	seq.s32 s5, $0x0;
	s5 =	sld [smem:$0x3FB2]  }
0x2b: {  	s6 =	sld [smem:$0x3FB3]  }
0x2c: {  	s7 =	sld [smem:$0x3FB4]  }
0x2d: {  	s3 =	simm.s32 $0x108;
	s8 =	sld [smem:$0x3FB5]  }
0x2e: {  	s3 =	simm.s32 @!p0 $0x1082;
	s9 =	sld [smem:$0x3FB6]  }
0x2f: {  	lr =	sadd.s32 s0, s3;
	s0 =	sld [smem:$0x3FAD]  }
0x30: {  	s3 =	sld [smem:$0x3FB0]  }
0x31: {  	[smem:$0x3FB9] =	sst s10  }
0x32: {  	s10 =	sld [smem:$0x3FB7];
	_ =	sdelay $0x3  }
0x33: {  	p0 =	seq.s32 s10, $0x1;
	s10 =	sld [smem:$0x3FB9];
	_ =	sdelay $0x3  }
0x34: {  	[smem:$0x3FB9] =	sst s10  }
0x35: {  	s10 =	sld [smem:$0x3FB8];
	_ =	sdelay $0x3  }
0x36: {  	p1 =	seq.s32 s10, $0x1;
	s10 =	sld [smem:$0x3FB9];
	_ =	sdelay $0x3  }
0x37: {  	[smem:$0x3FB9] =	sst s10  }
0x38: {  	s10 =	sld [smem:$0x3FBA]  }
0x39: {  	_ = 	snop;
	(pc) =	sbr.ind lr, $3  }
0x3a: {  	_ = 	snop  }
0x3b: {  	_ = 	snop  }
0x3c: {  	p2 =	seq.s32 s10, $0x1;
	s10 =	sld [smem:$0x3FB9]  }
0x3d: {  	_ =	shalt  }
0x3e: {  	_ =	shalt  }
0x3f: {  	_ =	shalt  }
0x40: {  	_ =	shalt  }
0x41: {  	_ =	shalt  }
0x42: {  	_ =	shalt  }
0x43: {  	_ =	shalt  }
0x44: {  	_ =	shalt  }
0x45: {  	_ =	shalt  }
0x46: {  	_ =	shalt  }
0x47: {  	_ =	shalt  }
0x48: {  	_ =	shalt  }
0x49: {  	_ =	shalt  }
0x4a: {  	_ =	shalt  }
0x4b: {  	_ =	shalt  }
0x4c: {  	_ =	shalt  }
0x4d: {  	_ =	shalt  }
0x4e: {  	_ =	shalt  }
0x4f: {  	_ =	shalt  }
0x50: {  	_ =	shalt  }
0x51: {  	_ =	shalt  }
0x52: {  	_ =	shalt  }
0x53: {  	_ =	shalt  }
0x54: {  	_ =	shalt  }
0x55: {  	_ =	shalt  }
0x56: {  	_ =	shalt  }
0x57: {  	_ =	shalt  }
0x58: {  	_ =	shalt  }
0x59: {  	_ =	shalt  }
0x5a: {  	_ =	shalt  }
0x5b: {  	_ =	shalt  }
0x5c: {  	_ =	shalt  }
0x5d: {  	_ =	shalt  }
0x5e: {  	_ =	shalt  }
0x5f: {  	_ =	shalt  }
0x60: {  	_ =	shalt  }
0x61: {  	_ =	shalt  }
0x62: {  	_ =	shalt  }
0x63: {  	_ =	shalt  }
0x64: {  	_ =	shalt  }
0x65: {  	_ =	shalt  }
0x66: {  	_ =	shalt  }
0x67: {  	_ =	shalt  }
0x68: {  	_ =	shalt  }
0x69: {  	_ =	shalt  }
0x6a: {  	_ =	shalt  }
0x6b: {  	_ =	shalt  }
0x6c: {  	_ =	shalt  }
0x6d: {  	_ =	shalt  }
0x6e: {  	_ =	shalt  }
0x6f: {  	_ =	shalt  }
0x70: {  	_ =	shalt  }
0x71: {  	_ =	shalt  }
0x72: {  	_ =	shalt  }
0x73: {  	_ =	shalt  }
0x74: {  	_ =	shalt  }
0x75: {  	_ =	shalt  }
0x76: {  	_ =	shalt  }
0x77: {  	_ =	shalt  }
0x78: {  	_ =	shalt  }
0x79: {  	_ =	shalt  }
0x7a: {  	_ =	shalt  }
0x7b: {  	_ =	shalt  }
0x7c: {  	_ =	shalt  }
0x7d: {  	_ =	shalt  }
0x7e: {  	_ =	shalt  }
0x7f: {  	_ =	shalt  }
0x80: {  	_ =	shalt  }
0x81: {  	_ =	shalt  }
0x82: {  	_ =	shalt  }
0x83: {  	_ =	shalt  }
0x84: {  	_ =	shalt  }
0x85: {  	_ =	shalt  }
0x86: {  	_ =	shalt  }
0x87: {  	_ =	shalt  }
.Lfunc_end0:
.L_simem_size_0:
called_computation.1_lowered:
.L_overlay_start_0:
0x88: {  	s2 =	sld [smem:$0x3FD9]  }
0x89: {  	s3 =	sld [smem:$0x3FFE];
	_ =	sdelay $0x1  }
0x8a: {  	s1 =	srdreg.scid  }
0x8b: {  	s0 =	sand.u32 $0x1, s1  }
0x8c: {  	s17 =	sshll.u32 s0, $0xA;
	s2 =	sadd.s32 s3, s2  }
0x8d: {  	s2 =	sadd.s32 s2, s17  }
0x8e: {  	[smem:$0x3FC5] =	sst s2  }
0x8f: {  	_ = 	snop  }
0x90: {  	(tm) =	ssettm $0x1  }
0x91: {  	s18 =	sld [smem:$0x3FFB];
	_ =	sdelay $0x3  }
0x92: {  	_ =	strace s18  }
0x93: {  	s2 =	sld [smem:$0x3FFC];
	_ =	sdelay $0x3  }
0x94: {  	_ =	strace s2  }
0x95: {  	s2 =	sld [smem:$0x3FFD];
	_ =	sdelay $0x3  }
0x96: {  	_ =	strace s2  }
0x97: {  	_ =	strace $0x8FFFFFFF  }
0x98: {  	s19 =	sld [smem:$0x3FDB];
	_ =	sdelay $0x1  }
0x99: {  	s20 =	simm.s32 $_scs_section_size  }
0x9a: {  	s4 =	simm.s32 $_size__tile_overlayer_lowered;
	s5 =	simm.s32 $_tile_overlayer_lowered  }
0x9b: {  	s6 =	simm.s32 $0x1BFF;
	s21 =	sshll.u32 s5, $0x1;
	s3 =	sadd.s32 s20, s19  }
0x9c: {  	s22 =	simm.s32 $0x0;
	s4 =	sshll.u32 s4, $0x1;
	s5 =	sadd.s32 s21, s3  }
0x9d: {  	[timem:s22], [sflag:s6] =	dma.local [hbm:s5], s4  }
0x9e: {  	_ =	swait.ge [sflag:s6], s4  }
0x9f: {  	s4 =	ssub.s32 $0x0, s4;
	[sflag:s6] =	ssyncset.done $0x0  }
0xa0: {  	[sflag:s6] =	ssyncadd.s32 s4;
	_ =	sdelay $0x1  }
0xa1: {  	s23 =	simm.s32 $0x1B8B  }
0xa2: {  	_ =	swait.ge [sflag:s23], $0x1  }
0xa3: {  	[sflag:s23] =	ssyncset.done $0x0  }
0xa4: {  	[sflag:s23] =	ssyncadd.s32 $0xFFFFFFFF  }
0xa5: {  	s4 =	sld [smem:$0x0]  }
0xa6: {  	s5 =	sand.u32 $0xFFFFFFFE, s1  }
0xa7: {  	p0 =	sne.s32 s1, s5  }
0xa8: {  	s5 =	sshll.u32 @p0 s5, $0xE  }
0xa9: {  	s5 =	sadd.s32 @p0 $0x11B8D, s5;
	s6 =	sshll.u32 @p0 s4, $0x11  }
0xaa: {  	s5 =	sor.u32 @p0 s6, s5  }
0xab: {  	[sflag:s5] =	ssyncadd.remote.s32 @p0 $0x1;
	_ =	sdelay $0x1  }
0xac: {  	s5 =	simm.s32 @p0 $0x1B8D  }
0xad: {  	_ =	swait.eq @p0 [sflag:s5], $0x1  }
0xae: {  	[sflag:s5] =	ssyncadd.s32 @p0 $0xFFFFFFFF  }
0xaf: {  	s6 =	sshll.u32 @!p0 s1, $0xE  }
0xb0: {  	s6 =	sor.u32 @!p0 $0x4000, s6;
	s5 =	simm.s32 @!p0 $0x1B8D  }
0xb1: {  	s4 =	sshll.u32 @!p0 s4, $0x11;
	s6 =	sadd.s32 @!p0 $0x11B8D, s6;
	_ =	swait.eq @!p0 [sflag:s5], $0x1  }
0xb2: {  	s4 =	sor.u32 @!p0 s4, s6;
	[sflag:s5] =	ssyncadd.s32 @!p0 $0xFFFFFFFF  }
0xb3: {  	s25 =	simm.s32 $0x1B8E;
	s24 =	sld [smem:$0x3FFE];
	[sflag:s4] =	ssyncadd.remote.s32 @!p0 $0x1  }
0xb4: {  	s26 =	simm.s32 $execute0_lowered;
	[smem:$0x3FD2] =	sst s25  }
0xb5: {  	s5 =	sshll.u32 s26, $0x1;
	_ =	strace $0x80000049;
	[dreg:$0x1] =	wrdreg $0xFFFFFFFF  }
0xb6: {  	s28 =	simm.s32 $_size_execute0_lowered;
	s3 =	sadd.s32 s3, s5;
	[dreg:$0x0] =	wrdreg $0x0  }
0xb7: {  	s5 =	sshll.u32 s28, $0x1;
	[dreg:$0x2] =	wrdreg s3  }
0xb8: {  	[dreg:$0x3] =	wrdreg s5  }
0xb9: {  	[dreg:$0x4] =	wrdreg $0xC0  }
0xba: {  	_ =	task [dreg:s22], $0x5FFFF  }
0xbb: {  	[dreg:$0x1] =	wrdreg $0xFFFFFFFF  }
0xbc: {  	[dreg:$0x0] =	wrdreg $0x60  }
0xbd: {  	[dreg:$0x2] =	wrdreg s24  }
0xbe: {  	[dreg:$0x3] =	wrdreg $0xA  }
0xbf: {  	_ =	task.clear_ibuf [dreg:s22], $0x4FFFF;
	_ =	strace $0x90000049  }
0xc0: {  	s29 =	simm.s32 $0xA;
	_ =	strace $0x8000004B  }
0xc1: {  	_ =	swait.ge [sflag:s29], $0x1  }
0xc2: {  	[sflag:s29] =	ssyncadd.s32 $0xFFFFFFFF  }
0xc3: {  	_ =	strace $0x9000004B  }
0xc4: {  	_ =	sfence  }
0xc5: {  	s30 =	sld [smem:$0x0];
	_ =	sdelay $0x2  }
0xc6: {  	s31 =	sshll.u32 s1, $0xD;
	s1 =	sshrl.u32 s1, $0x2  }
0xc7: {  	s4 =	sand.u32 $0x4000, s31;
	s1 =	sadd.s32 s1, s30  }
0xc8: {  	s0 =	sor.u32 s4, s0;
	s1 =	sshll.u32 s1, $0x11  }
0xc9: {  	s0 =	sor.u32 s1, s0  }
0xca: {  	s0 =	sadd.s32 $0x8F2B, s0  }
0xcb: {  	[sflag:s0] =	ssyncadd.remote.s32 $0x1  }
0xcc: {  	_ =	sfence.sel $0xFFFF  }
0xcd: {  	[dreg:$0x0] =	wrdreg $0xFFFFFFFF;
	(pc) =	sbr.abs _section_cstart, $3  }
0xce: {  	[dreg:$0x1] =	wrdreg $0xFFFFFFFF  }
0xcf: {  	_ =	task.clear_ibuf [dreg:s22], $0x2FFFF;
	_ =	strace $0x9FFFFFFF  }
0xd0: {  	(tm) =	ssettm $0x7FFFFFFF  }
0xd1: {  	_ =	shalt  }
tec
execute0_lowered:
.L_overlay_start_1:
0x0: {  	(tag) =	ssettag $0x1  }
0x1: {  	s3 =	rddreg [dreg:$0x0]  }
0x2: {  	s0 =	rddreg [dreg:$0x1]  }
0x3: {  	s2 =	simm.s32 $0x0;
	s4 =	srdreg.scid;
	s1 =	stileid.u32  }
0x4: {  	[smem:$0x7FF] =	sst s2;
	s4 =	sand.u32 $0x1, s4;
	s5 =	sshll.u32 s1, $0x1  }
0x5: {  	s8 =	simm.s32 $0x0;
	_ =	strace $0x8000004A;
	s5 =	sor.u32 s4, s5  }
0x6: {  	s4 =	ssub.s32 $0x2, s4;
	s6 =	sshll.u32 s5, $0x5;
	s5 =	sshll.u32 s5, $0xB  }
0x7: {  	s7 =	sshrl.u32 s4, $0x1;
	s6 =	sadd.s32 s6, s3;
	s5 =	sadd.s32 s5, s3  }
0x8: {  	v1 =	vlaneseq.u32;
	s7 =	ssub.s32 s4, s7;
	s3 =	sadd.s32 $0x11E00, s6;
	s4 =	sadd.s32 $0x12200, s5  }
0x9: {  	v0 =	vimm.f32 $0.0e+00;
	v2 =	vimm.f32 $1.000000000e+00;
	v1 =	vmul.u32 $0x40, v1;
	s5 =	smax.u32 s7, $0x1;
	s6 =	simm.s32 $0x1;
	s7 =	simm.s32 $0x100  }
.LBB2_1:
0xa: {  	[tilespmem:s2], [sflag:$0x1] =	stream.linear.gather [hbm4b:s3+s2], $0x100, $0x38;
	[tilespmem:$0x4100] =	vst v63  }
0xb: {  	_ =	swait.ge [sflag:s6], $0x100  }
0xc: {  	[sflag:s6] =	ssyncset.done $0x0  }
0xd: {  	s12 =	simm.s32 $0x140;
	[sflag:s6] =	ssyncadd.s32 $0xFFFFFF00  }
0xe: {  	[tilespmem:s12+$0xFFFFFFC0] =	vst v0  }
0xf: {  	[tilespmem:s12+$0x30] =	vst v0  }
0x10: {  	[tilespmem:s12+$0x20] =	vst v0  }
0x11: {  	[tilespmem:s12+$0x10] =	vst v0  }
0x12: {  	[tilespmem:s12+$0x0] =	vst v0  }
0x13: {  	[tilespmem:s12+$0xFFFFFFF0] =	vst v0  }
0x14: {  	s13 =	simm.s32 $0x0;
	s9 =	simm.s32 $0x20;
	[tilespmem:s12+$0xFFFFFFE0] =	vst v0  }
.LBB2_2:
0x15: {  	s13 =	sadd.s32 $0x8, s13;
	[tilespmem:s12+$0xFFFFFFD0] =	vst v0;
	s12 =	sadd.s32 $0x80, s12;
	s10 =	simm.s32 $0xFFFFFFFC  }
0x16: {  	[tilespmem:s12+$0xFFFFFFC0] =	vst v0;
	p0 =	slt.u32 s13, $0x3F8  }
0x17: {  	[tilespmem:s12+$0x30] =	vst v0  }
.Ltmp0:
0x18: {  	[tilespmem:s12+$0x20] =	vst v0;
	(pc) =	sbr.rel @p0 .LBB2_2-.Ltmp0, $4  }
0x19: {  	[tilespmem:s12+$0x10] =	vst v0  }
0x1a: {  	[tilespmem:s12+$0x0] =	vst v0  }
0x1b: {  	[tilespmem:s12+$0xFFFFFFF0] =	vst v0  }
0x1c: {  	s11 =	simm.s32 $0x0;
	[tilespmem:s12+$0xFFFFFFE0] =	vst v0  }
0x1d: {  	[tilespmem:s12+$0xFFFFFFD0] =	vst v0  }
.LBB2_4:
0x1e: {  	v3 =	vld [tilespmem:s9+$0xFFFFFFE0];
	_ =	sdelay $0x1  }
0x1f: {  	v4 =	vmov s11  }
0x20: {  	v4 =	vshll.u32 v4, $0x6  }
0x21: {  	v4 =	vor.u32 v1, v4  }
0x22: {  	v3 =	vadd.s32 v4, v3;
	_ =	sdelay $0x4  }
0x23: {  	[tilespmem:v3+s7+$0x0] =	vst.idx.msk $0xffff, v2  }
0x24: {  	v3 =	vld [tilespmem:s9+$0xFFFFFFF0]  }
0x25: {  	s12 =	sadd.s32 $0x10, s11  }
0x26: {  	v61 =	vmov s12  }
0x27: {  	v4 =	vshll.u32 v61, $0x6  }
0x28: {  	v4 =	vor.u32 v1, v4  }
0x29: {  	v3 =	vadd.s32 v4, v3;
	_ =	sdelay $0x4  }
0x2a: {  	[tilespmem:v3+s7+$0x0] =	vst.idx.msk $0xffff, v2  }
0x2b: {  	v3 =	vld [tilespmem:s9+$0x0]  }
0x2c: {  	s30 =	sadd.s32 $0x20, s11  }
0x2d: {  	v62 =	vmov s30  }
0x2e: {  	v4 =	vshll.u32 v62, $0x6  }
0x2f: {  	v4 =	vor.u32 v1, v4  }
0x30: {  	v3 =	vadd.s32 v4, v3;
	_ =	sdelay $0x4  }
0x31: {  	[tilespmem:v3+s7+$0x0] =	vst.idx.msk $0xffff, v2  }
0x32: {  	v3 =	vld [tilespmem:s9+$0x10]  }
0x33: {  	s31 =	sadd.s32 $0x30, s11  }
0x34: {  	v63 =	vmov s31  }
0x35: {  	v4 =	vshll.u32 v63, $0x6  }
0x36: {  	s10 =	sadd.s32 $0x4, s10;
	v4 =	vor.u32 v1, v4  }
0x37: {  	p0 =	slt.u32 s10, $0xC;
	v3 =	vadd.s32 v4, v3  }
.Ltmp1:
0x38: {  	_ = 	snop;
	(pc) =	sbr.rel @p0 .LBB2_4-.Ltmp1, $2  }
0x39: {  	_ =	sdelay $0x2  }
0x3a: {  	s11 =	sadd.s32 $0x40, s11;
	s9 =	sadd.s32 $0x40, s9;
	[tilespmem:v3+s7+$0x0] =	vst.idx.msk $0xffff, v2  }
0x3b: {  	s8 =	sadd.s32 $0x1, s8  }
0x3c: {  	p0 =	sne.s32 s8, s5  }
.Ltmp2:
0x3d: {  	_ = 	snop;
	(pc) =	sbr.rel @p0 .LBB2_1-.Ltmp2, $4  }
0x3e: {  	[hbm4b:s4+s2] =	stream.linear.scatter [tilespmem:s7], [sflag:$0x1], $0x4000, $0x38;
	[tilespmem:$0x4100] =	vst v63  }
0x3f: {  	_ =	swait.ge [sflag:s6], $0x4000  }
0x40: {  	[sflag:s6] =	ssyncset.done $0x0  }
0x41: {  	[sflag:s6] =	ssyncadd.s32 $0xFFFFC000  }
0x42: {  	_ =	sfence.sel $0x180000  }
0x43: {  	[bflag:$0x0] =	sbarrier.arrive $0xFFFF  }
0x44: {  	p0 =	sne.s32 s1, $0x0;
	_ =	strace $0x9000004A  }
0x45: {  	s0 =	sadd.s32 @!p0 $0x100000, s0;
	[bflag:$0x2] =	sbarrier.arrive $0xFFFF  }
0x46: {  	[sflag:s0] =	ssyncadd.tile.s32 @!p0 $0x1;
	_ =	shalt  }
.Lfunc_end2:
_tile_overlayer_lowered:
.L_overlay_start_2:
0x47: {  	(tag) =	ssettag $0x2  }
0x48: {  	s0 =	rddreg [dreg:$0x0];
	s2 =	stileid.u32  }
0x49: {  	s1 =	rddreg [dreg:$0x1];
	p0 =	sne.s32 s2, $0x0  }
0x4a: {  	s3 =	rddreg [dreg:$0x2];
	[bflag:$0x3] =	sbarrier.arrive $0xFFFF;
	s2 =	simm.s32 @!p0 $0x1C01  }
0x4b: {  	[timem:s3], [sflag:s2] =	dma.local @!p0 [hbm:s0], s1  }
0x4c: {  	s0 =	simm.s32 @!p0 $0x1  }
0x4d: {  	_ =	swait.ge @!p0 [sflag:s0], s1  }
0x4e: {  	s1 =	ssub.s32 @!p0 $0x0, s1;
	[sflag:s0] =	ssyncset.done @!p0 $0x0  }
0x4f: {  	[sflag:s0] =	ssyncadd.s32 @!p0 s1  }
0x50: {  	[bflag:$0x3] =	sbarrier.arrive $0xFFFF  }
0x51: {  	_ =	shalt  }

// kernel: kernel.16.cloned.1.call-start
scs
__scs_entry_jumppad:
0x0: {  	(pc) =	sbr.rel $0x88, $3  }
0x1: {  	(tag) =	ssettag $0x0;
	lr =	simm.s32 $0x1  }
0x2: {  	[smem:$0x3F9E] =	sst lr;
	_ =	strace $0xD0000000  }
0x3: {  	_ = 	snop  }
0x4: {  	_ = 	snop  }
0x5: {  	_ = 	snop  }
0x6: {  	_ = 	snop  }
0x7: {  	_ = 	snop  }
__scs_overlays_trampoline_lowered:
0x8: {  	[smem:$0x3FAD] =	sst s0  }
0x9: {  	[smem:$0x3FAE] =	sst s1  }
0xa: {  	[smem:$0x3FAF] =	sst s2  }
0xb: {  	[smem:$0x3FB0] =	sst s3  }
0xc: {  	[smem:$0x3FB1] =	sst s4  }
0xd: {  	[smem:$0x3FB2] =	sst s5  }
0xe: {  	[smem:$0x3FB3] =	sst s6  }
0xf: {  	[smem:$0x3FB4] =	sst s7  }
0x10: {  	[smem:$0x3FB5] =	sst s8  }
0x11: {  	[smem:$0x3FB6] =	sst s9;
	s0 =	simm.s32 @!p0 $0x0  }
0x12: {  	s1 =	sld [smem:$0x3F9C];
	s0 =	simm.s32 @p0 $0x1  }
0x13: {  	[smem:$0x3FB7] =	sst s0;
	s0 =	simm.s32 @!p1 $0x0  }
0x14: {  	s2 =	sld [smem:$0x3F9B];
	s0 =	simm.s32 @p1 $0x1  }
0x15: {  	[smem:$0x3FB8] =	sst s0;
	s0 =	simm.s32 @!p2 $0x0  }
0x16: {  	s3 =	sld [smem:$0x3FDB];
	s0 =	simm.s32 @p2 $0x1  }
0x17: {  	s4 =	simm.s32 $0x1BF5;
	[smem:$0x3FBA] =	sst s0  }
0x18: {  	s0 =	sld [smem:$0x3F9D];
	_ =	swait.ge [sflag:s4], $0x0  }
0x19: {  	s7 =	sld [smem:$0x3F9E]  }
0x1a: {  	s8 =	sadd.s32 $0xFFFFE003, lr  }
0x1b: {  	s9 =	sadd.s32 $0xFFFFFEF7, lr;
	s5 =	simm.s32 $0xFFFFFFFF;
	p2 =	slt.u32 s8, $0xFFFFF086  }
0x1c: {  	p1 =	slt.u32 s9, $0xF7A;
	s5 =	simm.s32 @!p2 $0x0  }
0x1d: {  	s5 =	simm.s32 @p1 $0x1;
	p0 =	seq.s32 s7, s2  }
0x1e: {  	s7 =	smul.u32 @!p0 $0xF7A, s2;
	p2 =	seq.s32 @!p0 s5, $0x0  }
0x1f: {  	s9 =	smul.u32 $0xF7A, s1;
	s8 =	simm.s32 @!p0 $0x1BF5;
	p2 =	por !p2, p0  }
0x20: {  	[sflag:s8] =	ssyncset.s32 @!p0 $0xFFFFF086;
	s6 =	sadd.s32 @!p0 s3, s7;
	s7 =	simm.s32 @!p0 $0x108  }
0x21: {  	s3 =	sadd.s32 s3, s9;
	s6 =	sadd.s32 @!p0 $0x88, s6;
	s7 =	simm.s32 @p2 $0x1082  }
0x22: {  	[simem:s7], [sflag:s8] =	dma.local @!p0 [hbm:s6], $0xF7A  }
0x23: {  	s9 =	sor.u32 $0xD0000000, s2;
	s6 =	simm.s32 $0x108;
	_ =	swait.ge @!p0 [sflag:s8], $0x0  }
0x24: {  	s3 =	sadd.s32 $0x88, s3;
	s6 =	simm.s32 @!p1 $0x1082;
	[sflag:s4] =	ssyncset.s32 $0xFFFFF086  }
0x25: {  	[simem:s6], [sflag:s4] =	dma.local [hbm:s3], $0xF7A  }
0x26: {  	[smem:$0x3F9E] =	sst s1;
	(tag) =	ssettag s2;
	_ =	strace s9  }
0x27: {  	s1 =	sld [smem:$0x3FAE]  }
0x28: {  	s2 =	sld [smem:$0x3FAF]  }
0x29: {  	s4 =	sld [smem:$0x3FB1]  }
0x2a: {  	p0 =	seq.s32 s5, $0x0;
	s5 =	sld [smem:$0x3FB2]  }
0x2b: {  	s6 =	sld [smem:$0x3FB3]  }
0x2c: {  	s7 =	sld [smem:$0x3FB4]  }
0x2d: {  	s3 =	simm.s32 $0x108;
	s8 =	sld [smem:$0x3FB5]  }
0x2e: {  	s3 =	simm.s32 @!p0 $0x1082;
	s9 =	sld [smem:$0x3FB6]  }
0x2f: {  	lr =	sadd.s32 s0, s3;
	s0 =	sld [smem:$0x3FAD]  }
0x30: {  	s3 =	sld [smem:$0x3FB0]  }
0x31: {  	[smem:$0x3FB9] =	sst s10  }
0x32: {  	s10 =	sld [smem:$0x3FB7];
	_ =	sdelay $0x3  }
0x33: {  	p0 =	seq.s32 s10, $0x1;
	s10 =	sld [smem:$0x3FB9];
	_ =	sdelay $0x3  }
0x34: {  	[smem:$0x3FB9] =	sst s10  }
0x35: {  	s10 =	sld [smem:$0x3FB8];
	_ =	sdelay $0x3  }
0x36: {  	p1 =	seq.s32 s10, $0x1;
	s10 =	sld [smem:$0x3FB9];
	_ =	sdelay $0x3  }
0x37: {  	[smem:$0x3FB9] =	sst s10  }
0x38: {  	s10 =	sld [smem:$0x3FBA]  }
0x39: {  	_ = 	snop;
	(pc) =	sbr.ind lr, $3  }
0x3a: {  	_ = 	snop  }
0x3b: {  	_ = 	snop  }
0x3c: {  	p2 =	seq.s32 s10, $0x1;
	s10 =	sld [smem:$0x3FB9]  }
0x3d: {  	_ =	shalt  }
0x3e: {  	_ =	shalt  }
0x3f: {  	_ =	shalt  }
0x40: {  	_ =	shalt  }
0x41: {  	_ =	shalt  }
0x42: {  	_ =	shalt  }
0x43: {  	_ =	shalt  }
0x44: {  	_ =	shalt  }
0x45: {  	_ =	shalt  }
0x46: {  	_ =	shalt  }
0x47: {  	_ =	shalt  }
0x48: {  	_ =	shalt  }
0x49: {  	_ =	shalt  }
0x4a: {  	_ =	shalt  }
0x4b: {  	_ =	shalt  }
0x4c: {  	_ =	shalt  }
0x4d: {  	_ =	shalt  }
0x4e: {  	_ =	shalt  }
0x4f: {  	_ =	shalt  }
0x50: {  	_ =	shalt  }
0x51: {  	_ =	shalt  }
0x52: {  	_ =	shalt  }
0x53: {  	_ =	shalt  }
0x54: {  	_ =	shalt  }
0x55: {  	_ =	shalt  }
0x56: {  	_ =	shalt  }
0x57: {  	_ =	shalt  }
0x58: {  	_ =	shalt  }
0x59: {  	_ =	shalt  }
0x5a: {  	_ =	shalt  }
0x5b: {  	_ =	shalt  }
0x5c: {  	_ =	shalt  }
0x5d: {  	_ =	shalt  }
0x5e: {  	_ =	shalt  }
0x5f: {  	_ =	shalt  }
0x60: {  	_ =	shalt  }
0x61: {  	_ =	shalt  }
0x62: {  	_ =	shalt  }
0x63: {  	_ =	shalt  }
0x64: {  	_ =	shalt  }
0x65: {  	_ =	shalt  }
0x66: {  	_ =	shalt  }
0x67: {  	_ =	shalt  }
0x68: {  	_ =	shalt  }
0x69: {  	_ =	shalt  }
0x6a: {  	_ =	shalt  }
0x6b: {  	_ =	shalt  }
0x6c: {  	_ =	shalt  }
0x6d: {  	_ =	shalt  }
0x6e: {  	_ =	shalt  }
0x6f: {  	_ =	shalt  }
0x70: {  	_ =	shalt  }
0x71: {  	_ =	shalt  }
0x72: {  	_ =	shalt  }
0x73: {  	_ =	shalt  }
0x74: {  	_ =	shalt  }
0x75: {  	_ =	shalt  }
0x76: {  	_ =	shalt  }
0x77: {  	_ =	shalt  }
0x78: {  	_ =	shalt  }
0x79: {  	_ =	shalt  }
0x7a: {  	_ =	shalt  }
0x7b: {  	_ =	shalt  }
0x7c: {  	_ =	shalt  }
0x7d: {  	_ =	shalt  }
0x7e: {  	_ =	shalt  }
0x7f: {  	_ =	shalt  }
0x80: {  	_ =	shalt  }
0x81: {  	_ =	shalt  }
0x82: {  	_ =	shalt  }
0x83: {  	_ =	shalt  }
0x84: {  	_ =	shalt  }
0x85: {  	_ =	shalt  }
0x86: {  	_ =	shalt  }
0x87: {  	_ =	shalt  }
.Lfunc_end0:
.L_simem_size_0:
called_computation.2_lowered:
.L_overlay_start_0:
0x88: {  	s2 =	sld [smem:$0x3FD9]  }
0x89: {  	s3 =	sld [smem:$0x3FFE];
	_ =	sdelay $0x1  }
0x8a: {  	s1 =	srdreg.scid  }
0x8b: {  	s0 =	sand.u32 $0x1, s1  }
0x8c: {  	s17 =	sshll.u32 s0, $0xA;
	s2 =	sadd.s32 s3, s2  }
0x8d: {  	s2 =	sadd.s32 s2, s17  }
0x8e: {  	[smem:$0x3FC5] =	sst s2  }
0x8f: {  	_ = 	snop  }
0x90: {  	s18 =	sld [smem:$0x3FD0];
	(tm) =	ssettm $0x1  }
0x91: {  	s19 =	sld [smem:$0x3FFB];
	_ =	sdelay $0x3  }
0x92: {  	_ =	strace s19  }
0x93: {  	s2 =	sld [smem:$0x3FFC];
	_ =	sdelay $0x3  }
0x94: {  	_ =	strace s2  }
0x95: {  	s2 =	sld [smem:$0x3FFD];
	_ =	sdelay $0x3  }
0x96: {  	_ =	strace s2  }
0x97: {  	_ =	strace $0x8FFFFFFF  }
0x98: {  	s20 =	sld [smem:$0x3FDB];
	_ =	sdelay $0x1  }
0x99: {  	s4 =	simm.s32 $_scs_section_size  }
0x9a: {  	s5 =	simm.s32 $_size__tile_overlayer_lowered;
	s6 =	simm.s32 $_tile_overlayer_lowered  }
0x9b: {  	s7 =	simm.s32 $0x1BFF;
	s21 =	sshll.u32 s6, $0x1;
	s4 =	sadd.s32 s4, s20  }
0x9c: {  	s22 =	simm.s32 $0x0;
	s5 =	sshll.u32 s5, $0x1;
	s6 =	sadd.s32 s21, s4  }
0x9d: {  	[timem:s22], [sflag:s7] =	dma.local [hbm:s6], s5  }
0x9e: {  	_ =	swait.ge [sflag:s7], s5  }
0x9f: {  	s5 =	ssub.s32 $0x0, s5;
	[sflag:s7] =	ssyncset.done $0x0  }
0xa0: {  	[sflag:s7] =	ssyncadd.s32 s5;
	_ =	sdelay $0x1  }
0xa1: {  	s23 =	simm.s32 $0x1B8B  }
0xa2: {  	_ =	swait.ge [sflag:s23], $0x1  }
0xa3: {  	[sflag:s23] =	ssyncset.done $0x0  }
0xa4: {  	[sflag:s23] =	ssyncadd.s32 $0xFFFFFFFF  }
0xa5: {  	s5 =	sld [smem:$0x0]  }
0xa6: {  	s6 =	sand.u32 $0xFFFFFFFE, s1  }
0xa7: {  	p0 =	sne.s32 s1, s6  }
0xa8: {  	s6 =	sshll.u32 @p0 s6, $0xE  }
0xa9: {  	s6 =	sadd.s32 @p0 $0x11B8D, s6;
	s7 =	sshll.u32 @p0 s5, $0x11  }
0xaa: {  	s6 =	sor.u32 @p0 s7, s6  }
0xab: {  	[sflag:s6] =	ssyncadd.remote.s32 @p0 $0x1;
	_ =	sdelay $0x1  }
0xac: {  	s6 =	simm.s32 @p0 $0x1B8D  }
0xad: {  	_ =	swait.eq @p0 [sflag:s6], $0x1  }
0xae: {  	[sflag:s6] =	ssyncadd.s32 @p0 $0xFFFFFFFF  }
0xaf: {  	s7 =	sshll.u32 @!p0 s1, $0xE  }
0xb0: {  	s7 =	sor.u32 @!p0 $0x4000, s7;
	s6 =	simm.s32 @!p0 $0x1B8D  }
0xb1: {  	s5 =	sshll.u32 @!p0 s5, $0x11;
	s7 =	sadd.s32 @!p0 $0x11B8D, s7;
	_ =	swait.eq @!p0 [sflag:s6], $0x1  }
0xb2: {  	s5 =	sor.u32 @!p0 s5, s7;
	[sflag:s6] =	ssyncadd.s32 @!p0 $0xFFFFFFFF  }
0xb3: {  	s25 =	simm.s32 $0x1B8E;
	s24 =	sld [smem:$0x3FFE];
	[sflag:s5] =	ssyncadd.remote.s32 @!p0 $0x1  }
0xb4: {  	s26 =	simm.s32 $execute0_lowered;
	[smem:$0x3FD2] =	sst s25  }
0xb5: {  	s6 =	sshll.u32 s26, $0x1;
	_ =	strace $0x8000004C;
	[dreg:$0x1] =	wrdreg $0xFFFFFFFF  }
0xb6: {  	s28 =	simm.s32 $_size_execute0_lowered;
	s4 =	sadd.s32 s4, s6;
	[dreg:$0x0] =	wrdreg $0x0  }
0xb7: {  	s6 =	sshll.u32 s28, $0x1;
	[dreg:$0x2] =	wrdreg s4  }
0xb8: {  	[dreg:$0x3] =	wrdreg s6  }
0xb9: {  	[dreg:$0x4] =	wrdreg $0xC0  }
0xba: {  	_ =	task [dreg:s22], $0x5FFFF  }
0xbb: {  	[dreg:$0x1] =	wrdreg $0xFFFFFFFF  }
0xbc: {  	[dreg:$0x0] =	wrdreg $0x60  }
0xbd: {  	[dreg:$0x2] =	wrdreg s24  }
0xbe: {  	[dreg:$0x3] =	wrdreg s18  }
0xbf: {  	[dreg:$0x4] =	wrdreg $0xB  }
0xc0: {  	_ =	task.clear_ibuf [dreg:s22], $0x5FFFF;
	_ =	strace $0x9000004C  }
0xc1: {  	s29 =	simm.s32 $0xB;
	_ =	strace $0x8000004E  }
0xc2: {  	_ =	swait.ge [sflag:s29], $0x1  }
0xc3: {  	[sflag:s29] =	ssyncadd.s32 $0xFFFFFFFF  }
0xc4: {  	_ =	strace $0x9000004E  }
0xc5: {  	_ =	sfence  }
0xc6: {  	s30 =	sld [smem:$0x0];
	_ =	sdelay $0x2  }
0xc7: {  	s31 =	sshll.u32 s1, $0xD;
	s1 =	sshrl.u32 s1, $0x2  }
0xc8: {  	s4 =	sand.u32 $0x4000, s31;
	s1 =	sadd.s32 s1, s30  }
0xc9: {  	s0 =	sor.u32 s4, s0;
	s1 =	sshll.u32 s1, $0x11  }
0xca: {  	s0 =	sor.u32 s1, s0  }
0xcb: {  	s0 =	sadd.s32 $0x8F2B, s0  }
0xcc: {  	[sflag:s0] =	ssyncadd.remote.s32 $0x1  }
0xcd: {  	_ =	sfence.sel $0xFFFF  }
0xce: {  	[dreg:$0x0] =	wrdreg $0xFFFFFFFF;
	(pc) =	sbr.abs _section_cstart, $3  }
0xcf: {  	[dreg:$0x1] =	wrdreg $0xFFFFFFFF  }
0xd0: {  	_ =	task.clear_ibuf [dreg:s22], $0x2FFFF;
	_ =	strace $0x9FFFFFFF  }
0xd1: {  	(tm) =	ssettm $0x7FFFFFFF  }
tec
execute0_lowered:
.L_overlay_start_1:
0x0: {  	(tag) =	ssettag $0x1  }
0x1: {  	s3 =	rddreg [dreg:$0x0]  }
0x2: {  	s4 =	rddreg [dreg:$0x1]  }
0x3: {  	s0 =	rddreg [dreg:$0x2]  }
0x4: {  	s5 =	srdreg.scid;
	s1 =	stileid.u32  }
0x5: {  	s2 =	simm.s32 $0x0;
	s5 =	sand.u32 $0x1, s5;
	s6 =	sshll.u32 s1, $0x1  }
0x6: {  	[smem:$0x7FF] =	sst s2;
	s6 =	sor.u32 s5, s6;
	s5 =	ssub.s32 $0x2, s5  }
0x7: {  	_ =	strace $0x8000004D;
	s7 =	sshll.u32 s6, $0x5;
	s8 =	sshrl.u32 s5, $0x1  }
0x8: {  	s6 =	sshll.u32 s6, $0xB;
	s3 =	sadd.s32 s7, s3;
	s5 =	ssub.s32 s5, s8  }
0x9: {  	v1 =	vlaneseq.u32;
	s4 =	sadd.s32 s4, s6;
	s6 =	simm.s32 $0x1;
	s7 =	simm.s32 $0x100  }
0xa: {  	v0 =	vimm.f32 $0.0e+00;
	v2 =	vimm.f32 $1.000000000e+00;
	v1 =	vmul.u32 $0x40, v1;
	s8 =	simm.s32 $0x0;
	s3 =	sadd.s32 $0x22200, s3;
	s5 =	smax.u32 s5, $0x1  }
.LBB2_1:
0xb: {  	[tilespmem:s2], [sflag:$0x1] =	stream.linear.gather [hbm4b:s3+s2], $0x100, $0x38;
	[tilespmem:$0x4100] =	vst v63  }
0xc: {  	_ =	swait.ge [sflag:s6], $0x100  }
0xd: {  	[sflag:s6] =	ssyncset.done $0x0  }
0xe: {  	s12 =	simm.s32 $0x140;
	[sflag:s6] =	ssyncadd.s32 $0xFFFFFF00  }
0xf: {  	[tilespmem:s12+$0xFFFFFFC0] =	vst v0  }
0x10: {  	[tilespmem:s12+$0x30] =	vst v0  }
0x11: {  	[tilespmem:s12+$0x20] =	vst v0  }
0x12: {  	[tilespmem:s12+$0x10] =	vst v0  }
0x13: {  	[tilespmem:s12+$0x0] =	vst v0  }
0x14: {  	[tilespmem:s12+$0xFFFFFFF0] =	vst v0  }
0x15: {  	s13 =	simm.s32 $0x0;
	s9 =	simm.s32 $0x20;
	[tilespmem:s12+$0xFFFFFFE0] =	vst v0  }
.LBB2_2:
0x16: {  	s13 =	sadd.s32 $0x8, s13;
	[tilespmem:s12+$0xFFFFFFD0] =	vst v0;
	s12 =	sadd.s32 $0x80, s12;
	s10 =	simm.s32 $0xFFFFFFFC  }
0x17: {  	[tilespmem:s12+$0xFFFFFFC0] =	vst v0;
	p0 =	slt.u32 s13, $0x3F8  }
0x18: {  	[tilespmem:s12+$0x30] =	vst v0  }
.Ltmp0:
0x19: {  	[tilespmem:s12+$0x20] =	vst v0;
	(pc) =	sbr.rel @p0 .LBB2_2-.Ltmp0, $4  }
0x1a: {  	[tilespmem:s12+$0x10] =	vst v0  }
0x1b: {  	[tilespmem:s12+$0x0] =	vst v0  }
0x1c: {  	[tilespmem:s12+$0xFFFFFFF0] =	vst v0  }
0x1d: {  	s11 =	simm.s32 $0x0;
	[tilespmem:s12+$0xFFFFFFE0] =	vst v0  }
0x1e: {  	[tilespmem:s12+$0xFFFFFFD0] =	vst v0  }
.LBB2_4:
0x1f: {  	v3 =	vld [tilespmem:s9+$0xFFFFFFE0];
	_ =	sdelay $0x1  }
0x20: {  	v4 =	vmov s11  }
0x21: {  	v4 =	vshll.u32 v4, $0x6  }
0x22: {  	v4 =	vor.u32 v1, v4  }
0x23: {  	v3 =	vadd.s32 v4, v3;
	_ =	sdelay $0x4  }
0x24: {  	[tilespmem:v3+s7+$0x0] =	vst.idx.msk $0xffff, v2  }
0x25: {  	v3 =	vld [tilespmem:s9+$0xFFFFFFF0]  }
0x26: {  	s12 =	sadd.s32 $0x10, s11  }
0x27: {  	v61 =	vmov s12  }
0x28: {  	v4 =	vshll.u32 v61, $0x6  }
0x29: {  	v4 =	vor.u32 v1, v4  }
0x2a: {  	v3 =	vadd.s32 v4, v3;
	_ =	sdelay $0x4  }
0x2b: {  	[tilespmem:v3+s7+$0x0] =	vst.idx.msk $0xffff, v2  }
0x2c: {  	v3 =	vld [tilespmem:s9+$0x0]  }
0x2d: {  	s30 =	sadd.s32 $0x20, s11  }
0x2e: {  	v62 =	vmov s30  }
0x2f: {  	v4 =	vshll.u32 v62, $0x6  }
0x30: {  	v4 =	vor.u32 v1, v4  }
0x31: {  	v3 =	vadd.s32 v4, v3;
	_ =	sdelay $0x4  }
0x32: {  	[tilespmem:v3+s7+$0x0] =	vst.idx.msk $0xffff, v2  }
0x33: {  	v3 =	vld [tilespmem:s9+$0x10]  }
0x34: {  	s31 =	sadd.s32 $0x30, s11  }
0x35: {  	v63 =	vmov s31  }
0x36: {  	v4 =	vshll.u32 v63, $0x6  }
0x37: {  	s10 =	sadd.s32 $0x4, s10;
	v4 =	vor.u32 v1, v4  }
0x38: {  	p0 =	slt.u32 s10, $0xC;
	v3 =	vadd.s32 v4, v3  }
.Ltmp1:
0x39: {  	_ = 	snop;
	(pc) =	sbr.rel @p0 .LBB2_4-.Ltmp1, $2  }
0x3a: {  	_ =	sdelay $0x2  }
0x3b: {  	s11 =	sadd.s32 $0x40, s11;
	s9 =	sadd.s32 $0x40, s9;
	[tilespmem:v3+s7+$0x0] =	vst.idx.msk $0xffff, v2  }
0x3c: {  	s8 =	sadd.s32 $0x1, s8  }
0x3d: {  	p0 =	sne.s32 s8, s5  }
.Ltmp2:
0x3e: {  	_ = 	snop;
	(pc) =	sbr.rel @p0 .LBB2_1-.Ltmp2, $4  }
0x3f: {  	[hbm4b:s4+s2] =	stream.linear.scatter [tilespmem:s7], [sflag:$0x1], $0x4000, $0x38;
	[tilespmem:$0x4100] =	vst v63  }
0x40: {  	_ =	swait.ge [sflag:s6], $0x4000  }
0x41: {  	[sflag:s6] =	ssyncset.done $0x0  }
0x42: {  	[sflag:s6] =	ssyncadd.s32 $0xFFFFC000  }
0x43: {  	_ =	sfence.sel $0x180000  }
0x44: {  	[bflag:$0x0] =	sbarrier.arrive $0xFFFF  }
0x45: {  	p0 =	sne.s32 s1, $0x0;
	_ =	strace $0x9000004D  }
0x46: {  	s0 =	sadd.s32 @!p0 $0x100000, s0;
	[bflag:$0x2] =	sbarrier.arrive $0xFFFF  }
0x47: {  	[sflag:s0] =	ssyncadd.tile.s32 @!p0 $0x1;
	_ =	shalt  }
.Lfunc_end2:
_tile_overlayer_lowered:
.L_overlay_start_2:
0x48: {  	(tag) =	ssettag $0x2  }
0x49: {  	s0 =	rddreg [dreg:$0x0];
	s2 =	stileid.u32  }
0x4a: {  	s1 =	rddreg [dreg:$0x1];
	p0 =	sne.s32 s2, $0x0  }
0x4b: {  	s3 =	rddreg [dreg:$0x2];
	[bflag:$0x3] =	sbarrier.arrive $0xFFFF;
	s2 =	simm.s32 @!p0 $0x1C01  }
0x4c: {  	[timem:s3], [sflag:s2] =	dma.local @!p0 [hbm:s0], s1  }
0x4d: {  	s0 =	simm.s32 @!p0 $0x1  }
0x4e: {  	_ =	swait.ge @!p0 [sflag:s0], s1  }
0x4f: {  	s1 =	ssub.s32 @!p0 $0x0, s1;
	[sflag:s0] =	ssyncset.done @!p0 $0x0  }
0x50: {  	[sflag:s0] =	ssyncadd.s32 @!p0 s1  }
0x51: {  	[bflag:$0x3] =	sbarrier.arrive $0xFFFF  }
0x52: {  	_ =	shalt  }

// kernel: kernel.19.cloned.1.call-start
scs
__scs_entry_jumppad:
0x0: {  	(pc) =	sbr.rel $0x88, $3  }
0x1: {  	(tag) =	ssettag $0x0;
	lr =	simm.s32 $0x1  }
0x2: {  	[smem:$0x3F9E] =	sst lr;
	_ =	strace $0xD0000000  }
0x3: {  	_ = 	snop  }
0x4: {  	_ = 	snop  }
0x5: {  	_ = 	snop  }
0x6: {  	_ = 	snop  }
0x7: {  	_ = 	snop  }
__scs_overlays_trampoline_lowered:
0x8: {  	[smem:$0x3FAD] =	sst s0  }
0x9: {  	[smem:$0x3FAE] =	sst s1  }
0xa: {  	[smem:$0x3FAF] =	sst s2  }
0xb: {  	[smem:$0x3FB0] =	sst s3  }
0xc: {  	[smem:$0x3FB1] =	sst s4  }
0xd: {  	[smem:$0x3FB2] =	sst s5  }
0xe: {  	[smem:$0x3FB3] =	sst s6  }
0xf: {  	[smem:$0x3FB4] =	sst s7  }
0x10: {  	[smem:$0x3FB5] =	sst s8  }
0x11: {  	[smem:$0x3FB6] =	sst s9;
	s0 =	simm.s32 @!p0 $0x0  }
0x12: {  	s1 =	sld [smem:$0x3F9C];
	s0 =	simm.s32 @p0 $0x1  }
0x13: {  	[smem:$0x3FB7] =	sst s0;
	s0 =	simm.s32 @!p1 $0x0  }
0x14: {  	s2 =	sld [smem:$0x3F9B];
	s0 =	simm.s32 @p1 $0x1  }
0x15: {  	[smem:$0x3FB8] =	sst s0;
	s0 =	simm.s32 @!p2 $0x0  }
0x16: {  	s3 =	sld [smem:$0x3FDB];
	s0 =	simm.s32 @p2 $0x1  }
0x17: {  	s4 =	simm.s32 $0x1BF5;
	[smem:$0x3FBA] =	sst s0  }
0x18: {  	s0 =	sld [smem:$0x3F9D];
	_ =	swait.ge [sflag:s4], $0x0  }
0x19: {  	s7 =	sld [smem:$0x3F9E]  }
0x1a: {  	s8 =	sadd.s32 $0xFFFFE003, lr  }
0x1b: {  	s9 =	sadd.s32 $0xFFFFFEF7, lr;
	s5 =	simm.s32 $0xFFFFFFFF;
	p2 =	slt.u32 s8, $0xFFFFF086  }
0x1c: {  	p1 =	slt.u32 s9, $0xF7A;
	s5 =	simm.s32 @!p2 $0x0  }
0x1d: {  	s5 =	simm.s32 @p1 $0x1;
	p0 =	seq.s32 s7, s2  }
0x1e: {  	s7 =	smul.u32 @!p0 $0xF7A, s2;
	p2 =	seq.s32 @!p0 s5, $0x0  }
0x1f: {  	s9 =	smul.u32 $0xF7A, s1;
	s8 =	simm.s32 @!p0 $0x1BF5;
	p2 =	por !p2, p0  }
0x20: {  	[sflag:s8] =	ssyncset.s32 @!p0 $0xFFFFF086;
	s6 =	sadd.s32 @!p0 s3, s7;
	s7 =	simm.s32 @!p0 $0x108  }
0x21: {  	s3 =	sadd.s32 s3, s9;
	s6 =	sadd.s32 @!p0 $0x88, s6;
	s7 =	simm.s32 @p2 $0x1082  }
0x22: {  	[simem:s7], [sflag:s8] =	dma.local @!p0 [hbm:s6], $0xF7A  }
0x23: {  	s9 =	sor.u32 $0xD0000000, s2;
	s6 =	simm.s32 $0x108;
	_ =	swait.ge @!p0 [sflag:s8], $0x0  }
0x24: {  	s3 =	sadd.s32 $0x88, s3;
	s6 =	simm.s32 @!p1 $0x1082;
	[sflag:s4] =	ssyncset.s32 $0xFFFFF086  }
0x25: {  	[simem:s6], [sflag:s4] =	dma.local [hbm:s3], $0xF7A  }
0x26: {  	[smem:$0x3F9E] =	sst s1;
	(tag) =	ssettag s2;
	_ =	strace s9  }
0x27: {  	s1 =	sld [smem:$0x3FAE]  }
0x28: {  	s2 =	sld [smem:$0x3FAF]  }
0x29: {  	s4 =	sld [smem:$0x3FB1]  }
0x2a: {  	p0 =	seq.s32 s5, $0x0;
	s5 =	sld [smem:$0x3FB2]  }
0x2b: {  	s6 =	sld [smem:$0x3FB3]  }
0x2c: {  	s7 =	sld [smem:$0x3FB4]  }
0x2d: {  	s3 =	simm.s32 $0x108;
	s8 =	sld [smem:$0x3FB5]  }
0x2e: {  	s3 =	simm.s32 @!p0 $0x1082;
	s9 =	sld [smem:$0x3FB6]  }
0x2f: {  	lr =	sadd.s32 s0, s3;
	s0 =	sld [smem:$0x3FAD]  }
0x30: {  	s3 =	sld [smem:$0x3FB0]  }
0x31: {  	[smem:$0x3FB9] =	sst s10  }
0x32: {  	s10 =	sld [smem:$0x3FB7];
	_ =	sdelay $0x3  }
0x33: {  	p0 =	seq.s32 s10, $0x1;
	s10 =	sld [smem:$0x3FB9];
	_ =	sdelay $0x3  }
0x34: {  	[smem:$0x3FB9] =	sst s10  }
0x35: {  	s10 =	sld [smem:$0x3FB8];
	_ =	sdelay $0x3  }
0x36: {  	p1 =	seq.s32 s10, $0x1;
	s10 =	sld [smem:$0x3FB9];
	_ =	sdelay $0x3  }
0x37: {  	[smem:$0x3FB9] =	sst s10  }
0x38: {  	s10 =	sld [smem:$0x3FBA]  }
0x39: {  	_ = 	snop;
	(pc) =	sbr.ind lr, $3  }
0x3a: {  	_ = 	snop  }
0x3b: {  	_ = 	snop  }
0x3c: {  	p2 =	seq.s32 s10, $0x1;
	s10 =	sld [smem:$0x3FB9]  }
0x3d: {  	_ =	shalt  }
0x3e: {  	_ =	shalt  }
0x3f: {  	_ =	shalt  }
0x40: {  	_ =	shalt  }
0x41: {  	_ =	shalt  }
0x42: {  	_ =	shalt  }
0x43: {  	_ =	shalt  }
0x44: {  	_ =	shalt  }
0x45: {  	_ =	shalt  }
0x46: {  	_ =	shalt  }
0x47: {  	_ =	shalt  }
0x48: {  	_ =	shalt  }
0x49: {  	_ =	shalt  }
0x4a: {  	_ =	shalt  }
0x4b: {  	_ =	shalt  }
0x4c: {  	_ =	shalt  }
0x4d: {  	_ =	shalt  }
0x4e: {  	_ =	shalt  }
0x4f: {  	_ =	shalt  }
0x50: {  	_ =	shalt  }
0x51: {  	_ =	shalt  }
0x52: {  	_ =	shalt  }
0x53: {  	_ =	shalt  }
0x54: {  	_ =	shalt  }
0x55: {  	_ =	shalt  }
0x56: {  	_ =	shalt  }
0x57: {  	_ =	shalt  }
0x58: {  	_ =	shalt  }
0x59: {  	_ =	shalt  }
0x5a: {  	_ =	shalt  }
0x5b: {  	_ =	shalt  }
0x5c: {  	_ =	shalt  }
0x5d: {  	_ =	shalt  }
0x5e: {  	_ =	shalt  }
0x5f: {  	_ =	shalt  }
0x60: {  	_ =	shalt  }
0x61: {  	_ =	shalt  }
0x62: {  	_ =	shalt  }
0x63: {  	_ =	shalt  }
0x64: {  	_ =	shalt  }
0x65: {  	_ =	shalt  }
0x66: {  	_ =	shalt  }
0x67: {  	_ =	shalt  }
0x68: {  	_ =	shalt  }
0x69: {  	_ =	shalt  }
0x6a: {  	_ =	shalt  }
0x6b: {  	_ =	shalt  }
0x6c: {  	_ =	shalt  }
0x6d: {  	_ =	shalt  }
0x6e: {  	_ =	shalt  }
0x6f: {  	_ =	shalt  }
0x70: {  	_ =	shalt  }
0x71: {  	_ =	shalt  }
0x72: {  	_ =	shalt  }
0x73: {  	_ =	shalt  }
0x74: {  	_ =	shalt  }
0x75: {  	_ =	shalt  }
0x76: {  	_ =	shalt  }
0x77: {  	_ =	shalt  }
0x78: {  	_ =	shalt  }
0x79: {  	_ =	shalt  }
0x7a: {  	_ =	shalt  }
0x7b: {  	_ =	shalt  }
0x7c: {  	_ =	shalt  }
0x7d: {  	_ =	shalt  }
0x7e: {  	_ =	shalt  }
0x7f: {  	_ =	shalt  }
0x80: {  	_ =	shalt  }
0x81: {  	_ =	shalt  }
0x82: {  	_ =	shalt  }
0x83: {  	_ =	shalt  }
0x84: {  	_ =	shalt  }
0x85: {  	_ =	shalt  }
0x86: {  	_ =	shalt  }
0x87: {  	_ =	shalt  }
.Lfunc_end0:
.L_simem_size_0:
called_computation.3_lowered:
.L_overlay_start_0:
0x88: {  	s2 =	sld [smem:$0x3FD9]  }
0x89: {  	s3 =	sld [smem:$0x3FFE];
	_ =	sdelay $0x1  }
0x8a: {  	s1 =	srdreg.scid  }
0x8b: {  	s0 =	sand.u32 $0x1, s1  }
0x8c: {  	s17 =	sshll.u32 s0, $0xA;
	s2 =	sadd.s32 s3, s2  }
0x8d: {  	s2 =	sadd.s32 s2, s17  }
0x8e: {  	[smem:$0x3FC5] =	sst s2  }
0x8f: {  	_ = 	snop  }
0x90: {  	(tm) =	ssettm $0x1  }
0x91: {  	s18 =	sld [smem:$0x3FFB];
	_ =	sdelay $0x3  }
0x92: {  	_ =	strace s18  }
0x93: {  	s2 =	sld [smem:$0x3FFC];
	_ =	sdelay $0x3  }
0x94: {  	_ =	strace s2  }
0x95: {  	s2 =	sld [smem:$0x3FFD];
	_ =	sdelay $0x3  }
0x96: {  	_ =	strace s2  }
0x97: {  	_ =	strace $0x8FFFFFFF  }
0x98: {  	s19 =	sld [smem:$0x3FDB];
	_ =	sdelay $0x1  }
0x99: {  	s20 =	simm.s32 $_scs_section_size  }
0x9a: {  	s4 =	simm.s32 $_size__tile_overlayer_lowered;
	s5 =	simm.s32 $_tile_overlayer_lowered  }
0x9b: {  	s6 =	simm.s32 $0x1BFF;
	s21 =	sshll.u32 s5, $0x1;
	s3 =	sadd.s32 s20, s19  }
0x9c: {  	s22 =	simm.s32 $0x0;
	s4 =	sshll.u32 s4, $0x1;
	s5 =	sadd.s32 s21, s3  }
0x9d: {  	[timem:s22], [sflag:s6] =	dma.local [hbm:s5], s4  }
0x9e: {  	_ =	swait.ge [sflag:s6], s4  }
0x9f: {  	s4 =	ssub.s32 $0x0, s4;
	[sflag:s6] =	ssyncset.done $0x0  }
0xa0: {  	[sflag:s6] =	ssyncadd.s32 s4;
	_ =	sdelay $0x1  }
0xa1: {  	s23 =	simm.s32 $0x1B8B  }
0xa2: {  	_ =	swait.ge [sflag:s23], $0x1  }
0xa3: {  	[sflag:s23] =	ssyncset.done $0x0  }
0xa4: {  	[sflag:s23] =	ssyncadd.s32 $0xFFFFFFFF  }
0xa5: {  	s4 =	sld [smem:$0x0]  }
0xa6: {  	s5 =	sand.u32 $0xFFFFFFFE, s1  }
0xa7: {  	p0 =	sne.s32 s1, s5  }
0xa8: {  	s5 =	sshll.u32 @p0 s5, $0xE  }
0xa9: {  	s5 =	sadd.s32 @p0 $0x11B8D, s5;
	s6 =	sshll.u32 @p0 s4, $0x11  }
0xaa: {  	s5 =	sor.u32 @p0 s6, s5  }
0xab: {  	[sflag:s5] =	ssyncadd.remote.s32 @p0 $0x1;
	_ =	sdelay $0x1  }
0xac: {  	s5 =	simm.s32 @p0 $0x1B8D  }
0xad: {  	_ =	swait.eq @p0 [sflag:s5], $0x1  }
0xae: {  	[sflag:s5] =	ssyncadd.s32 @p0 $0xFFFFFFFF  }
0xaf: {  	s6 =	sshll.u32 @!p0 s1, $0xE  }
0xb0: {  	s6 =	sor.u32 @!p0 $0x4000, s6;
	s5 =	simm.s32 @!p0 $0x1B8D  }
0xb1: {  	s4 =	sshll.u32 @!p0 s4, $0x11;
	s6 =	sadd.s32 @!p0 $0x11B8D, s6;
	_ =	swait.eq @!p0 [sflag:s5], $0x1  }
0xb2: {  	s4 =	sor.u32 @!p0 s4, s6;
	[sflag:s5] =	ssyncadd.s32 @!p0 $0xFFFFFFFF  }
0xb3: {  	s25 =	simm.s32 $0x1B8E;
	s24 =	sld [smem:$0x3FFE];
	[sflag:s4] =	ssyncadd.remote.s32 @!p0 $0x1  }
0xb4: {  	s26 =	simm.s32 $execute0_lowered;
	[smem:$0x3FD2] =	sst s25  }
0xb5: {  	s5 =	sshll.u32 s26, $0x1;
	_ =	strace $0x8000004F;
	[dreg:$0x1] =	wrdreg $0xFFFFFFFF  }
0xb6: {  	s28 =	simm.s32 $_size_execute0_lowered;
	s3 =	sadd.s32 s3, s5;
	[dreg:$0x0] =	wrdreg $0x0  }
0xb7: {  	s5 =	sshll.u32 s28, $0x1;
	[dreg:$0x2] =	wrdreg s3  }
0xb8: {  	[dreg:$0x3] =	wrdreg s5  }
0xb9: {  	[dreg:$0x4] =	wrdreg $0xC0  }
0xba: {  	_ =	task [dreg:s22], $0x5FFFF  }
0xbb: {  	[dreg:$0x1] =	wrdreg $0xFFFFFFFF  }
0xbc: {  	[dreg:$0x0] =	wrdreg $0x60  }
0xbd: {  	[dreg:$0x2] =	wrdreg s24  }
0xbe: {  	[dreg:$0x3] =	wrdreg $0xC  }
0xbf: {  	_ =	task.clear_ibuf [dreg:s22], $0x4FFFF;
	_ =	strace $0x9000004F  }
0xc0: {  	s29 =	simm.s32 $0xC;
	_ =	strace $0x80000051  }
0xc1: {  	_ =	swait.ge [sflag:s29], $0x1  }
0xc2: {  	[sflag:s29] =	ssyncadd.s32 $0xFFFFFFFF  }
0xc3: {  	_ =	strace $0x90000051  }
0xc4: {  	_ =	sfence  }
0xc5: {  	s30 =	sld [smem:$0x0];
	_ =	sdelay $0x2  }
0xc6: {  	s31 =	sshll.u32 s1, $0xD;
	s1 =	sshrl.u32 s1, $0x2  }
0xc7: {  	s4 =	sand.u32 $0x4000, s31;
	s1 =	sadd.s32 s1, s30  }
0xc8: {  	s0 =	sor.u32 s4, s0;
	s1 =	sshll.u32 s1, $0x11  }
0xc9: {  	s0 =	sor.u32 s1, s0  }
0xca: {  	s0 =	sadd.s32 $0x8F2B, s0  }
0xcb: {  	[sflag:s0] =	ssyncadd.remote.s32 $0x1  }
0xcc: {  	_ =	sfence.sel $0xFFFF  }
0xcd: {  	[dreg:$0x0] =	wrdreg $0xFFFFFFFF;
	(pc) =	sbr.abs _section_cstart, $3  }
0xce: {  	[dreg:$0x1] =	wrdreg $0xFFFFFFFF  }
0xcf: {  	_ =	task.clear_ibuf [dreg:s22], $0x2FFFF;
	_ =	strace $0x9FFFFFFF  }
0xd0: {  	(tm) =	ssettm $0x7FFFFFFF  }
0xd1: {  	_ =	shalt  }
tec
execute0_lowered:
.L_overlay_start_1:
0x0: {  	(tag) =	ssettag $0x1  }
0x1: {  	s3 =	rddreg [dreg:$0x0]  }
0x2: {  	s0 =	rddreg [dreg:$0x1]  }
0x3: {  	s2 =	simm.s32 $0x0;
	s4 =	srdreg.scid;
	s1 =	stileid.u32  }
0x4: {  	[smem:$0x7FF] =	sst s2;
	s4 =	sand.u32 $0x1, s4;
	s5 =	sshll.u32 s1, $0x1  }
0x5: {  	s8 =	simm.s32 $0x0;
	_ =	strace $0x80000050;
	s5 =	sor.u32 s4, s5  }
0x6: {  	s4 =	ssub.s32 $0x2, s4;
	s6 =	sshll.u32 s5, $0x5;
	s5 =	sshll.u32 s5, $0xB  }
0x7: {  	s7 =	sshrl.u32 s4, $0x1;
	s6 =	sadd.s32 s6, s3;
	s5 =	sadd.s32 s5, s3  }
0x8: {  	v1 =	vlaneseq.u32;
	s7 =	ssub.s32 s4, s7;
	s3 =	sadd.s32 $0x22600, s6;
	s4 =	sadd.s32 $0x22A00, s5  }
0x9: {  	v0 =	vimm.f32 $0.0e+00;
	v2 =	vimm.f32 $1.000000000e+00;
	v1 =	vmul.u32 $0x40, v1;
	s5 =	smax.u32 s7, $0x1;
	s6 =	simm.s32 $0x1;
	s7 =	simm.s32 $0x100  }
.LBB2_1:
0xa: {  	[tilespmem:s2], [sflag:$0x1] =	stream.linear.gather [hbm4b:s3+s2], $0x100, $0x38;
	[tilespmem:$0x4100] =	vst v63  }
0xb: {  	_ =	swait.ge [sflag:s6], $0x100  }
0xc: {  	[sflag:s6] =	ssyncset.done $0x0  }
0xd: {  	s12 =	simm.s32 $0x140;
	[sflag:s6] =	ssyncadd.s32 $0xFFFFFF00  }
0xe: {  	[tilespmem:s12+$0xFFFFFFC0] =	vst v0  }
0xf: {  	[tilespmem:s12+$0x30] =	vst v0  }
0x10: {  	[tilespmem:s12+$0x20] =	vst v0  }
0x11: {  	[tilespmem:s12+$0x10] =	vst v0  }
0x12: {  	[tilespmem:s12+$0x0] =	vst v0  }
0x13: {  	[tilespmem:s12+$0xFFFFFFF0] =	vst v0  }
0x14: {  	s13 =	simm.s32 $0x0;
	s9 =	simm.s32 $0x20;
	[tilespmem:s12+$0xFFFFFFE0] =	vst v0  }
.LBB2_2:
0x15: {  	s13 =	sadd.s32 $0x8, s13;
	[tilespmem:s12+$0xFFFFFFD0] =	vst v0;
	s12 =	sadd.s32 $0x80, s12;
	s10 =	simm.s32 $0xFFFFFFFC  }
0x16: {  	[tilespmem:s12+$0xFFFFFFC0] =	vst v0;
	p0 =	slt.u32 s13, $0x3F8  }
0x17: {  	[tilespmem:s12+$0x30] =	vst v0  }
.Ltmp0:
0x18: {  	[tilespmem:s12+$0x20] =	vst v0;
	(pc) =	sbr.rel @p0 .LBB2_2-.Ltmp0, $4  }
0x19: {  	[tilespmem:s12+$0x10] =	vst v0  }
0x1a: {  	[tilespmem:s12+$0x0] =	vst v0  }
0x1b: {  	[tilespmem:s12+$0xFFFFFFF0] =	vst v0  }
0x1c: {  	s11 =	simm.s32 $0x0;
	[tilespmem:s12+$0xFFFFFFE0] =	vst v0  }
0x1d: {  	[tilespmem:s12+$0xFFFFFFD0] =	vst v0  }
.LBB2_4:
0x1e: {  	v3 =	vld [tilespmem:s9+$0xFFFFFFE0];
	_ =	sdelay $0x1  }
0x1f: {  	v4 =	vmov s11  }
0x20: {  	v4 =	vshll.u32 v4, $0x6  }
0x21: {  	v4 =	vor.u32 v1, v4  }
0x22: {  	v3 =	vadd.s32 v4, v3;
	_ =	sdelay $0x4  }
0x23: {  	[tilespmem:v3+s7+$0x0] =	vst.idx.msk $0xffff, v2  }
0x24: {  	v3 =	vld [tilespmem:s9+$0xFFFFFFF0]  }
0x25: {  	s12 =	sadd.s32 $0x10, s11  }
0x26: {  	v61 =	vmov s12  }
0x27: {  	v4 =	vshll.u32 v61, $0x6  }
0x28: {  	v4 =	vor.u32 v1, v4  }
0x29: {  	v3 =	vadd.s32 v4, v3;
	_ =	sdelay $0x4  }
0x2a: {  	[tilespmem:v3+s7+$0x0] =	vst.idx.msk $0xffff, v2  }
0x2b: {  	v3 =	vld [tilespmem:s9+$0x0]  }
0x2c: {  	s30 =	sadd.s32 $0x20, s11  }
0x2d: {  	v62 =	vmov s30  }
0x2e: {  	v4 =	vshll.u32 v62, $0x6  }
0x2f: {  	v4 =	vor.u32 v1, v4  }
0x30: {  	v3 =	vadd.s32 v4, v3;
	_ =	sdelay $0x4  }
0x31: {  	[tilespmem:v3+s7+$0x0] =	vst.idx.msk $0xffff, v2  }
0x32: {  	v3 =	vld [tilespmem:s9+$0x10]  }
0x33: {  	s31 =	sadd.s32 $0x30, s11  }
0x34: {  	v63 =	vmov s31  }
0x35: {  	v4 =	vshll.u32 v63, $0x6  }
0x36: {  	s10 =	sadd.s32 $0x4, s10;
	v4 =	vor.u32 v1, v4  }
0x37: {  	p0 =	slt.u32 s10, $0xC;
	v3 =	vadd.s32 v4, v3  }
.Ltmp1:
0x38: {  	_ = 	snop;
	(pc) =	sbr.rel @p0 .LBB2_4-.Ltmp1, $2  }
0x39: {  	_ =	sdelay $0x2  }
0x3a: {  	s11 =	sadd.s32 $0x40, s11;
	s9 =	sadd.s32 $0x40, s9;
	[tilespmem:v3+s7+$0x0] =	vst.idx.msk $0xffff, v2  }
0x3b: {  	s8 =	sadd.s32 $0x1, s8  }
0x3c: {  	p0 =	sne.s32 s8, s5  }
.Ltmp2:
0x3d: {  	_ = 	snop;
	(pc) =	sbr.rel @p0 .LBB2_1-.Ltmp2, $4  }
0x3e: {  	[hbm4b:s4+s2] =	stream.linear.scatter [tilespmem:s7], [sflag:$0x1], $0x4000, $0x38;
	[tilespmem:$0x4100] =	vst v63  }
0x3f: {  	_ =	swait.ge [sflag:s6], $0x4000  }
0x40: {  	[sflag:s6] =	ssyncset.done $0x0  }
0x41: {  	[sflag:s6] =	ssyncadd.s32 $0xFFFFC000  }
0x42: {  	_ =	sfence.sel $0x180000  }
0x43: {  	[bflag:$0x0] =	sbarrier.arrive $0xFFFF  }
0x44: {  	p0 =	sne.s32 s1, $0x0;
	_ =	strace $0x90000050  }
0x45: {  	s0 =	sadd.s32 @!p0 $0x100000, s0;
	[bflag:$0x2] =	sbarrier.arrive $0xFFFF  }
0x46: {  	[sflag:s0] =	ssyncadd.tile.s32 @!p0 $0x1;
	_ =	shalt  }
.Lfunc_end2:
_tile_overlayer_lowered:
.L_overlay_start_2:
0x47: {  	(tag) =	ssettag $0x2  }
0x48: {  	s0 =	rddreg [dreg:$0x0];
	s2 =	stileid.u32  }
0x49: {  	s1 =	rddreg [dreg:$0x1];
	p0 =	sne.s32 s2, $0x0  }
0x4a: {  	s3 =	rddreg [dreg:$0x2];
	[bflag:$0x3] =	sbarrier.arrive $0xFFFF;
	s2 =	simm.s32 @!p0 $0x1C01  }
0x4b: {  	[timem:s3], [sflag:s2] =	dma.local @!p0 [hbm:s0], s1  }
0x4c: {  	s0 =	simm.s32 @!p0 $0x1  }
0x4d: {  	_ =	swait.ge @!p0 [sflag:s0], s1  }
0x4e: {  	s1 =	ssub.s32 @!p0 $0x0, s1;
	[sflag:s0] =	ssyncset.done @!p0 $0x0  }
0x4f: {  	[sflag:s0] =	ssyncadd.s32 @!p0 s1  }
0x50: {  	[bflag:$0x3] =	sbarrier.arrive $0xFFFF  }
0x51: {  	_ =	shalt  }

</sc_bundles>
